<compile_context>
chip_gen: v7x
topology: tpu7x:2x2x1
jax: 0.10.2.dev20260603
libtpu: 0.0.44.dev20260713+nightly
codegen_flags: <defaults>
</compile_context>

<pallas_src>
import functools
import numpy as np
import jax
import jax.numpy as jnp
from jax import lax
from jax.experimental import pallas as pl
from jax.experimental.pallas import tpu as pltpu
from jax.experimental.pallas import tpu_sc as plsc

S, D = 2048, 1024
H, HKV = 16, 4
HD = D // H
HHD = HD // 2
KD = HKV * HD
MLPD = 4 * D
BASE = 10000.0
TS = 0.2
BQ = 256
BK = 256
MS1 = 32.0
WS1 = 32.0
WS2 = 64.0
NBQ = S // BQ
GRP = H // HKV
DW = D // 2
NSC, NSUB = 2, 16
NW = NSC * NSUB
RPW = S // NW



def _rope(x, cos, sin, width):
    a = pltpu.roll(x, 32, 1)
    b = pltpu.roll(x, width - 32, 1)
    col = lax.broadcasted_iota(jnp.int32, (1, width), 1)
    first_half = (col % HD) < HHD
    rot = jnp.where(first_half, -b, a)
    return x * cos + rot * sin


def _prologue_body(x_ref, gate_w_ref, gate_b_ref, m0_ref, m1_ref, m2_ref,
                   mb_ref, cos_ref, sin_ref, wqkv_ref, b1_ref, b2_ref,
                   w1_ref, w2_ref,
                   q_ref, k_ref, v_ref, refl_ref, mask_ref, dest_ref,
                   aux_ref, carry_ref, psum_ref, cnt_ref):
    i = pl.program_id(0)
    x = x_ref[...]

    logit = jnp.dot(x, gate_w_ref[...],
                    preferred_element_type=jnp.float32) + gate_b_ref[0, 0]
    probs = 1.0 / (1.0 + jnp.exp(-logit))
    mask = (probs > 0.5).astype(jnp.float32)
    mask_ref[...] = mask

    @pl.when(i == 0)
    def _():
        psum_ref[0, 0] = 0.0
        cnt_ref[0, 0] = 0.0
        carry_ref[...] = jnp.zeros((2, D), jnp.float32)

    psum_ref[0, 0] += jnp.sum(probs)
    aux_ref[...] = jnp.broadcast_to((psum_ref[0, 0] / S - TS) ** 2, (1, 1))

    r0 = lax.broadcasted_iota(jnp.int32, (BQ, BQ), 0)
    c0 = lax.broadcasted_iota(jnp.int32, (BQ, BQ), 1)
    tri = (r0 >= c0).astype(jnp.float32)
    a = jnp.dot(tri, mask, preferred_element_type=jnp.float32)
    tglob = (i * BQ + 1
             + lax.broadcasted_iota(jnp.int32, (BQ, 1), 0)).astype(jnp.float32)
    A = cnt_ref[0, 0] + a
    Bc = tglob - A
    dest = mask * (A - 1.0) + (1.0 - mask) * (S - Bc)
    dest_ref[...] = dest.astype(jnp.int32)
    cnt_ref[0, 0] += jnp.sum(mask)

    c = carry_ref[...]
    xm1 = jnp.concatenate([c[1:2], x[:-1]], axis=0)
    xm2 = jnp.concatenate([c[0:2], x[:-2]], axis=0)
    mixed = (x * m2_ref[...] + xm1 * m1_ref[...] + xm2 * m0_ref[...]
             + mb_ref[...])
    carry_ref[...] = x[-2:]

    h = jnp.dot((mixed * MS1).astype(jnp.float8_e4m3fn), w1_ref[...],
                preferred_element_type=jnp.float32) + b1_ref[...] * (MS1 * WS1)
    h = jnp.maximum(h, 0.0)
    refl_ref[...] = (jnp.dot(h.astype(jnp.float8_e4m3fn), w2_ref[...],
                             preferred_element_type=jnp.float32)
                     * (1.0 / (MS1 * WS1 * WS2)) + b2_ref[...])

    qkv = jnp.dot(x.astype(jnp.bfloat16), wqkv_ref[...],
                  preferred_element_type=jnp.float32)
    q = qkv[:, :D]
    k = qkv[:, D:D + KD]
    v = qkv[:, D + KD:]
    cos = cos_ref[...]
    sin = sin_ref[...]
    cq = jnp.concatenate([cos] * (D // 128), axis=1)
    sq = jnp.concatenate([sin] * (D // 128), axis=1)
    ck = jnp.concatenate([cos] * (KD // 128), axis=1)
    sk = jnp.concatenate([sin] * (KD // 128), axis=1)
    q_ref[...] = _rope(q, cq, sq, D).astype(jnp.bfloat16)
    k_ref[...] = _rope(k, ck, sk, KD).astype(jnp.bfloat16)
    v_ref[...] = v.astype(jnp.bfloat16)


def _flash_body(q_ref, k_ref, v_ref, pos_ref, ctx_ref):
    MQ = GRP * BQ
    q4 = q_ref[...].reshape(MQ, HD)
    posc = pos_ref[0]
    pos4 = jnp.concatenate([posc] * GRP, axis=0)
    nkb = (jnp.max(posc) + BK) // BK
    nt = (((1,), (1,)), ((), ()))

    def chunk(kb, carry):
        m, l, acc = carry
        kc = k_ref[0, pl.ds(kb * BK, BK), :]
        vc = v_ref[0, pl.ds(kb * BK, BK), :]
        s = lax.dot_general(q4, kc, nt, preferred_element_type=jnp.float32)
        col = kb * BK + lax.broadcasted_iota(jnp.int32, (MQ, BK), 1)
        s = jnp.where(pos4 >= col, s, -1e30)
        mc = jnp.maximum(m, jnp.max(s, axis=1, keepdims=True))
        p = jnp.exp(s - mc)
        alpha = jnp.exp(m - mc)
        l = l * alpha + jnp.sum(p, axis=1, keepdims=True)
        acc = acc * alpha + jnp.dot(p.astype(jnp.bfloat16), vc,
                                    preferred_element_type=jnp.float32)
        return mc, l, acc

    m0 = jnp.full((MQ, 1), -1e30, jnp.float32)
    l0 = jnp.zeros((MQ, 1), jnp.float32)
    a0 = jnp.zeros((MQ, HD), jnp.float32)
    m, l, acc = lax.fori_loop(0, nkb, chunk, (m0, l0, a0))
    ctx_ref[...] = ((acc / l).astype(jnp.bfloat16)).reshape(GRP, BQ, HD)


def _epilogue_body(x_ref, refl_ref, mask_ref, ctx_ref, wo_ref, out_ref):
    ctxo = jnp.dot(ctx_ref[...], wo_ref[...],
                   preferred_element_type=jnp.float32)
    gated = jnp.where(mask_ref[...] > 0.5, ctxo, 0.0)
    out_ref[...] = x_ref[...] + refl_ref[...] + gated



@functools.cache
def _sc_mesh():
    return plsc.VectorSubcoreMesh(core_axis_name="c", subcore_axis_name="s",
                                  num_cores=NSC, num_subcores=NSUB)


def _sc_wid():
    return lax.axis_index("s") * NSC + lax.axis_index("c")


def _route_body(q_hbm, ids_hbm, dest_hbm, qc_hbm, posc_hbm,
                idx_v, rows_v, ids_v, sem, sem2):
    base = _sc_wid() * RPW
    pltpu.sync_copy(dest_hbm.at[pl.ds(base, RPW)], idx_v)
    pltpu.sync_copy(q_hbm.at[pl.ds(base, RPW)], rows_v)
    pltpu.sync_copy(ids_hbm.at[pl.ds(base, RPW)], ids_v)
    cp1 = pltpu.async_copy(rows_v, qc_hbm.at[idx_v], sem)
    cp2 = pltpu.async_copy(ids_v, posc_hbm.at[idx_v], sem2)
    cp1.wait()
    cp2.wait()


def _invgather_body(ctxc_hbm, dest_hbm, out_hbm, idx_v, rows_v, sem):
    base = _sc_wid() * RPW
    pltpu.sync_copy(dest_hbm.at[pl.ds(base, RPW)], idx_v)
    pltpu.async_copy(ctxc_hbm.at[idx_v], rows_v, sem).wait()
    pltpu.sync_copy(rows_v, out_hbm.at[pl.ds(base, RPW)])


def _sc_route(q_words, ids16, dest):
    return pl.kernel(
        _route_body,
        out_type=[jax.ShapeDtypeStruct((S, DW), jnp.int32),
                  jax.ShapeDtypeStruct((S, 128), jnp.int32)],
        mesh=_sc_mesh(),
        scratch_types=[pltpu.VMEM((RPW,), jnp.int32),
                       pltpu.VMEM((RPW, DW), jnp.int32),
                       pltpu.VMEM((RPW, 128), jnp.int32),
                       pltpu.SemaphoreType.DMA,
                       pltpu.SemaphoreType.DMA],
    )(q_words, ids16, dest)


def _sc_invgather(ctx_words, dest):
    return pl.kernel(
        _invgather_body,
        out_type=jax.ShapeDtypeStruct((S, DW), jnp.int32),
        mesh=_sc_mesh(),
        scratch_types=[pltpu.VMEM((RPW,), jnp.int32),
                       pltpu.VMEM((RPW, DW), jnp.int32),
                       pltpu.SemaphoreType.DMA],
    )(ctx_words, dest)


def _to_words(a2d):
    n = a2d.shape[0]
    return lax.bitcast_convert_type(a2d.reshape(n, DW, 2), jnp.int32)


def _from_words(w2d):
    n = w2d.shape[0]
    return lax.bitcast_convert_type(w2d, jnp.bfloat16).reshape(n, D)



def kernel(x, gate_w, gate_b, Wq, Wk, Wv, Wo, mixer_w, mixer_b,
           mlp_w1, mlp_b1, mlp_w2, mlp_b2):
    f32 = jnp.float32
    bf16 = jnp.bfloat16
    x2 = x[0]

    scale = 1.0 / np.sqrt(HD)
    wqkv = jnp.concatenate([Wq * scale, Wk, Wv], axis=1).astype(bf16)

    inv_freq = 1.0 / (BASE ** (np.arange(0, HD, 2, dtype=np.float64) / HD))
    t = np.arange(S, dtype=np.float64)
    freqs = np.outer(t, inv_freq)
    cos128 = jnp.asarray(np.tile(np.cos(freqs), (1, 4)), dtype=f32)
    sin128 = jnp.asarray(np.tile(np.sin(freqs), (1, 4)), dtype=f32)

    m0 = mixer_w[:, 0][None, :]
    m1 = mixer_w[:, 1][None, :]
    m2 = mixer_w[:, 2][None, :]
    mb = mixer_b[None, :]
    gb = gate_b.reshape(1, 1)
    b1 = mlp_b1[None, :]
    b2 = mlp_b2[None, :]

    q, k, v, refl, maskc, dest2d, aux = pl.pallas_call(
        _prologue_body,
        grid=(NBQ,),
        in_specs=[
            pl.BlockSpec((BQ, D), lambda i: (i, 0)),
            pl.BlockSpec((D, 1), lambda i: (0, 0)),
            pl.BlockSpec((1, 1), lambda i: (0, 0)),
            pl.BlockSpec((1, D), lambda i: (0, 0)),
            pl.BlockSpec((1, D), lambda i: (0, 0)),
            pl.BlockSpec((1, D), lambda i: (0, 0)),
            pl.BlockSpec((1, D), lambda i: (0, 0)),
            pl.BlockSpec((BQ, 128), lambda i: (i, 0)),
            pl.BlockSpec((BQ, 128), lambda i: (i, 0)),
            pl.BlockSpec((D, D + 2 * KD), lambda i: (0, 0)),
            pl.BlockSpec((1, MLPD), lambda i: (0, 0)),
            pl.BlockSpec((1, D), lambda i: (0, 0)),
            pl.BlockSpec((D, MLPD), lambda i: (0, 0)),
            pl.BlockSpec((MLPD, D), lambda i: (0, 0)),
        ],
        out_specs=[
            pl.BlockSpec((BQ, D), lambda i: (i, 0)),
            pl.BlockSpec((BQ, KD), lambda i: (i, 0)),
            pl.BlockSpec((BQ, KD), lambda i: (i, 0)),
            pl.BlockSpec((BQ, D), lambda i: (i, 0)),
            pl.BlockSpec((BQ, 1), lambda i: (i, 0)),
            pl.BlockSpec((BQ, 1), lambda i: (i, 0)),
            pl.BlockSpec((1, 1), lambda i: (0, 0)),
        ],
        out_shape=[
            jax.ShapeDtypeStruct((S, D), bf16),
            jax.ShapeDtypeStruct((S, KD), bf16),
            jax.ShapeDtypeStruct((S, KD), bf16),
            jax.ShapeDtypeStruct((S, D), f32),
            jax.ShapeDtypeStruct((S, 1), f32),
            jax.ShapeDtypeStruct((S, 1), jnp.int32),
            jax.ShapeDtypeStruct((1, 1), f32),
        ],
        scratch_shapes=[
            pltpu.VMEM((2, D), f32),
            pltpu.SMEM((1, 1), f32),
            pltpu.SMEM((1, 1), f32),
        ],
    )(x2, gate_w, gb, m0, m1, m2, mb, cos128, sin128, wqkv, b1, b2,
      (mlp_w1 * WS1).astype(jnp.float8_e4m3fn),
      (mlp_w2 * WS2).astype(jnp.float8_e4m3fn))

    dest = dest2d.reshape(S)
    ids128 = jnp.broadcast_to(
        (jnp.arange(S, dtype=jnp.int32) * maskc.reshape(S).astype(jnp.int32)
         )[:, None], (S, 128))
    qcw, posc = _sc_route(_to_words(q), ids128, dest)
    qact = _from_words(qcw)

    q3 = qact.reshape(S, H, HD).transpose(1, 0, 2)
    k3 = k.reshape(S, HKV, HD).transpose(1, 0, 2)
    v3 = v.reshape(S, HKV, HD).transpose(1, 0, 2)
    pos3 = posc[:, 0].reshape(NBQ, BQ, 1)

    ctx = pl.pallas_call(
        _flash_body,
        grid=(HKV, NBQ),
        in_specs=[
            pl.BlockSpec((GRP, BQ, HD), lambda g, qi: (g, qi, 0)),
            pl.BlockSpec((1, S, HD), lambda g, qi: (g, 0, 0)),
            pl.BlockSpec((1, S, HD), lambda g, qi: (g, 0, 0)),
            pl.BlockSpec((1, BQ, 1), lambda g, qi: (qi, 0, 0)),
        ],
        out_specs=pl.BlockSpec((GRP, BQ, HD), lambda g, qi: (g, qi, 0)),
        out_shape=jax.ShapeDtypeStruct((H, S, HD), bf16),
    )(q3, k3, v3, pos3)

    ctx2dc = ctx.transpose(1, 0, 2).reshape(S, D)
    ctxd = _from_words(_sc_invgather(_to_words(ctx2dc), dest))

    out = pl.pallas_call(
        _epilogue_body,
        grid=(NBQ,),
        in_specs=[
            pl.BlockSpec((BQ, D), lambda qi: (qi, 0)),
            pl.BlockSpec((BQ, D), lambda qi: (qi, 0)),
            pl.BlockSpec((BQ, 1), lambda qi: (qi, 0)),
            pl.BlockSpec((BQ, D), lambda qi: (qi, 0)),
            pl.BlockSpec((D, D), lambda qi: (0, 0)),
        ],
        out_specs=pl.BlockSpec((BQ, D), lambda qi: (qi, 0)),
        out_shape=jax.ShapeDtypeStruct((S, D), f32),
    )(x2, refl, maskc, ctxd, Wo.astype(bf16))

    return out[None], aux[0, 0]

# --- scband reference (transcript-rebuilt; emitter-appended) ---
"""Pipeline reference for scband-hspmnv2-block-53764400611701 (READ-ONLY COPY).

The authoritative reference and input builder live on the scoring server;
editing this copy changes nothing except your own understanding.
"""

import jax, jax.numpy as jnp
import numpy as np

B, S, D = 1, 2048, 1024
H, HKV = 16, 4
HD = D // H
MLP = 4 * D
BASE = 10000.0
TS = 0.2


def _rope_tables(seq_len):
    inv_freq = 1.0 / (BASE ** (jnp.arange(0, HD, 2, dtype=jnp.float32) / HD))
    t = jnp.arange(seq_len, dtype=jnp.float32)
    freqs = jnp.outer(t, inv_freq)
    emb = jnp.concatenate([freqs, freqs], axis=-1)
    return jnp.cos(emb), jnp.sin(emb)


def _rotate_half(x):
    x1 = x[..., : x.shape[-1] // 2]
    x2 = x[..., x.shape[-1] // 2:]
    return jnp.concatenate([-x2, x1], axis=-1)


def setup_inputs(seed: int = 0):
    key = jax.random.key(seed)
    ks = jax.random.split(key, 16)
    s = 0.02
    return {
        "x": jax.random.normal(ks[0], (B, S, D), dtype=jnp.float32),
        "gate_w": jax.random.normal(ks[1], (D, 1), dtype=jnp.float32) * s,
        "gate_b": jnp.zeros((1,), dtype=jnp.float32),
        "Wq": jax.random.normal(ks[2], (D, D), dtype=jnp.float32) * s,
        "Wk": jax.random.normal(ks[3], (D, HKV * HD), dtype=jnp.float32) * s,
        "Wv": jax.random.normal(ks[4], (D, HKV * HD), dtype=jnp.float32) * s,
        "Wo": jax.random.normal(ks[5], (D, D), dtype=jnp.float32) * s,
        "mixer_w": jax.random.normal(ks[6], (D, 3), dtype=jnp.float32) * s,
        "mixer_b": jnp.zeros((D,), dtype=jnp.float32),
        "mlp_w1": jax.random.normal(ks[7], (D, MLP), dtype=jnp.float32) * s,
        "mlp_b1": jnp.zeros((MLP,), dtype=jnp.float32),
        "mlp_w2": jax.random.normal(ks[8], (MLP, D), dtype=jnp.float32) * s,
        "mlp_b2": jnp.zeros((D,), dtype=jnp.float32),
    }


def _forward(x, gate_w, gate_b, Wq, Wk, Wv, Wo, mixer_w, mixer_b, mlp_w1, mlp_b1, mlp_w2, mlp_b2):
    b, s, d = x.shape
    # --- Sparsity router (eval path: hard threshold) ---
    logits = x @ gate_w + gate_b
    probs = jax.nn.sigmoid(logits)
    aux_loss = (jnp.mean(probs) - TS) ** 2
    mask = (probs > 0.5).astype(x.dtype)  # [B,S,1]
    # --- Reflexive stream: causal depthwise conv (k=3, left-pad 2) + MLP on ALL tokens ---
    x_pad = jnp.pad(x, ((0, 0), (2, 0), (0, 0)))
    mixed = (x_pad[:, 0:s, :] * mixer_w[:, 0]
             + x_pad[:, 1:s + 1, :] * mixer_w[:, 1]
             + x_pad[:, 2:s + 2, :] * mixer_w[:, 2]) + mixer_b
    reflexive = jax.nn.relu(mixed @ mlp_w1 + mlp_b1) @ mlp_w2 + mlp_b2
    # --- Contextual stream: GQA causal attention with RoPE, output gated by router mask ---
    q = (x @ Wq).reshape(b, s, H, HD).transpose(0, 2, 1, 3)
    k = (x @ Wk).reshape(b, s, HKV, HD).transpose(0, 2, 1, 3)
    v = (x @ Wv).reshape(b, s, HKV, HD).transpose(0, 2, 1, 3)
    cos, sin = _rope_tables(s)
    cos = cos[None, None, :, :]
    sin = sin[None, None, :, :]
    q = q * cos + _rotate_half(q) * sin
    k = k * cos + _rotate_half(k) * sin
    n_rep = H // HKV
    k = jnp.repeat(k, n_rep, axis=1)
    v = jnp.repeat(v, n_rep, axis=1)
    scale = 1.0 / np.sqrt(HD)
    attn = jnp.einsum("bhqd,bhkd->bhqk", q, k) * scale
    causal = jnp.tril(jnp.ones((s, s), dtype=bool))
    attn = jnp.where(causal[None, None, :, :], attn, -1e9)
    attn = jax.nn.softmax(attn, axis=-1)
    ctx = jnp.einsum("bhqk,bhkd->bhqd", attn, v)
    ctx = ctx.transpose(0, 2, 1, 3).reshape(b, s, d)
    contextual = (ctx @ Wo) * mask
    out = x + reflexive + contextual
    return out, aux_loss


def reference(x, gate_w, gate_b, Wq, Wk, Wv, Wo, mixer_w, mixer_b, mlp_w1, mlp_b1, mlp_w2, mlp_b2):
    return _forward(x, gate_w, gate_b, Wq, Wk, Wv, Wo, mixer_w, mixer_b, mlp_w1, mlp_b1, mlp_w2, mlp_b2)

if __name__ == "__main__":
    import jax
    _d = setup_inputs()
    print(jax.jit(kernel)(*tuple(_d.values())))

</pallas_src>

<mosaic_0001>
#map = affine_map<(d0, d1) -> (0, 0)>
#map1 = affine_map<(d0, d1) -> (0)>
module attributes {stable_mosaic.version = 14 : i64} {
  func.func @_route_body(%arg0: i32, %arg1: i32, %arg2: memref<2048x512xi32, #tpu.memory_space<hbm>>, %arg3: memref<2048x128xi32, #tpu.memory_space<hbm>>, %arg4: memref<2048xi32, #tpu.memory_space<hbm>>, %arg5: memref<2048x512xi32, #tpu.memory_space<hbm>>, %arg6: memref<2048x128xi32, #tpu.memory_space<hbm>>, %arg7: memref<64xi32, #tpu.memory_space<vmem>>, %arg8: memref<64x512xi32, #tpu.memory_space<vmem>>, %arg9: memref<64x128xi32, #tpu.memory_space<vmem>>, %arg10: memref<!tpu.dma_semaphore, #tpu.memory_space<semaphore_mem>>, %arg11: memref<!tpu.dma_semaphore, #tpu.memory_space<semaphore_mem>>) attributes {dimension_semantics = [#tpu.dimension_semantics<core_parallel>, #tpu.dimension_semantics<subcore_parallel>], iteration_bounds = array<i64: 2, 16>, scalar_prefetch = 0 : i64, scratch_operands = 5 : i64, tpu.core_type = #tpu.core_type<sc_vector_subcore>, window_params = [{transform_indices = #map}, {transform_indices = #map}, {transform_indices = #map1}, {transform_indices = #map}, {transform_indices = #map}]} {
    %mul3A = arith.constant 2 : i32
    %mul3A_0 = arith.muli %arg1, %mul3A : i32
    %add3A = arith.addi %mul3A_0, %arg0 : i32
    %mul3A_1 = arith.constant 64 : i32
    %mul3A_2 = arith.muli %add3A, %mul3A_1 : i32
    "tpu.region"() ({
      %run_scoped3A = tpu.sem_alloc : memref<!tpu.dma_semaphore, #tpu.memory_space<semaphore_mem>>
      %dma_start3A_13 = tpu.memref_slice %arg4[%mul3A_2] : memref<2048xi32, #tpu.memory_space<hbm>> -> memref<64xi32, #tpu.memory_space<hbm>>
      %dma_start3A_14 = tpu.memref_slice %arg4[%mul3A_2] : memref<2048xi32, #tpu.memory_space<hbm>> -> memref<64xi32, #tpu.memory_space<hbm>>
      tpu.enqueue_dma source(%dma_start3A_14 : memref<64xi32, #tpu.memory_space<hbm>>) target(%arg7 : memref<64xi32, #tpu.memory_space<vmem>>) target_semaphore(%run_scoped3A : memref<!tpu.dma_semaphore, #tpu.memory_space<semaphore_mem>>)
      %dma_wait3A_15 = tpu.memref_slice %arg4[%mul3A_2] : memref<2048xi32, #tpu.memory_space<hbm>> -> memref<64xi32, #tpu.memory_space<hbm>>
      %dma_wait3A_16 = tpu.memref_slice %arg4[%mul3A_2] : memref<2048xi32, #tpu.memory_space<hbm>> -> memref<64xi32, #tpu.memory_space<hbm>>
      tpu.wait_dma2 semaphore(%run_scoped3A : memref<!tpu.dma_semaphore, #tpu.memory_space<semaphore_mem>>) src(%dma_wait3A_16 : memref<64xi32, #tpu.memory_space<hbm>>) dst(%arg7 : memref<64xi32, #tpu.memory_space<vmem>>)
      tpu.yield
    }) : () -> ()
    "tpu.region"() ({
      %run_scoped3A = tpu.sem_alloc : memref<!tpu.dma_semaphore, #tpu.memory_space<semaphore_mem>>
      %dma_start3A_13 = arith.constant 0 : i32
      %dma_start3A_14 = tpu.memref_slice %arg2[%mul3A_2, %dma_start3A_13] : memref<2048x512xi32, #tpu.memory_space<hbm>> -> memref<64x512xi32, #tpu.memory_space<hbm>>
      %dma_start3A_15 = arith.constant 0 : i32
      %dma_start3A_16 = tpu.memref_slice %arg2[%mul3A_2, %dma_start3A_15] : memref<2048x512xi32, #tpu.memory_space<hbm>> -> memref<64x512xi32, #tpu.memory_space<hbm>>
      tpu.enqueue_dma source(%dma_start3A_16 : memref<64x512xi32, #tpu.memory_space<hbm>>) target(%arg8 : memref<64x512xi32, #tpu.memory_space<vmem>>) target_semaphore(%run_scoped3A : memref<!tpu.dma_semaphore, #tpu.memory_space<semaphore_mem>>)
      %dma_wait3A_17 = arith.constant 0 : i32
      %dma_wait3A_18 = tpu.memref_slice %arg2[%mul3A_2, %dma_wait3A_17] : memref<2048x512xi32, #tpu.memory_space<hbm>> -> memref<64x512xi32, #tpu.memory_space<hbm>>
      %dma_wait3A_19 = arith.constant 0 : i32
      %dma_wait3A_20 = tpu.memref_slice %arg2[%mul3A_2, %dma_wait3A_19] : memref<2048x512xi32, #tpu.memory_space<hbm>> -> memref<64x512xi32, #tpu.memory_space<hbm>>
      tpu.wait_dma2 semaphore(%run_scoped3A : memref<!tpu.dma_semaphore, #tpu.memory_space<semaphore_mem>>) src(%dma_wait3A_20 : memref<64x512xi32, #tpu.memory_space<hbm>>) dst(%arg8 : memref<64x512xi32, #tpu.memory_space<vmem>>)
      tpu.yield
    }) : () -> ()
    "tpu.region"() ({
      %run_scoped3A = tpu.sem_alloc : memref<!tpu.dma_semaphore, #tpu.memory_space<semaphore_mem>>
      %dma_start3A_13 = arith.constant 0 : i32
      %dma_start3A_14 = tpu.memref_slice %arg3[%mul3A_2, %dma_start3A_13] : memref<2048x128xi32, #tpu.memory_space<hbm>> -> memref<64x128xi32, #tpu.memory_space<hbm>>
      %dma_start3A_15 = arith.constant 0 : i32
      %dma_start3A_16 = tpu.memref_slice %arg3[%mul3A_2, %dma_start3A_15] : memref<2048x128xi32, #tpu.memory_space<hbm>> -> memref<64x128xi32, #tpu.memory_space<hbm>>
      tpu.enqueue_dma source(%dma_start3A_16 : memref<64x128xi32, #tpu.memory_space<hbm>>) target(%arg9 : memref<64x128xi32, #tpu.memory_space<vmem>>) target_semaphore(%run_scoped3A : memref<!tpu.dma_semaphore, #tpu.memory_space<semaphore_mem>>)
      %dma_wait3A_17 = arith.constant 0 : i32
      %dma_wait3A_18 = tpu.memref_slice %arg3[%mul3A_2, %dma_wait3A_17] : memref<2048x128xi32, #tpu.memory_space<hbm>> -> memref<64x128xi32, #tpu.memory_space<hbm>>
      %dma_wait3A_19 = arith.constant 0 : i32
      %dma_wait3A_20 = tpu.memref_slice %arg3[%mul3A_2, %dma_wait3A_19] : memref<2048x128xi32, #tpu.memory_space<hbm>> -> memref<64x128xi32, #tpu.memory_space<hbm>>
      tpu.wait_dma2 semaphore(%run_scoped3A : memref<!tpu.dma_semaphore, #tpu.memory_space<semaphore_mem>>) src(%dma_wait3A_20 : memref<64x128xi32, #tpu.memory_space<hbm>>) dst(%arg9 : memref<64x128xi32, #tpu.memory_space<vmem>>)
      tpu.yield
    }) : () -> ()
    %dma_start3A = arith.constant 0 : i32
    %dma_start3A_3 = arith.constant 0 : i32
    %dma_start3A_4 = tpu.memref_slice %arg5[%dma_start3A, %dma_start3A_3] : memref<2048x512xi32, #tpu.memory_space<hbm>> -> memref<2048x512xi32, #tpu.memory_space<hbm>>
    tpu.enqueue_indirect_dma source(%arg8 : memref<64x512xi32, #tpu.memory_space<vmem>>) target(%dma_start3A_4 : memref<2048x512xi32, #tpu.memory_space<hbm>>) offsets(%arg7 : memref<64xi32, #tpu.memory_space<vmem>>) semaphore(%arg10 : memref<!tpu.dma_semaphore, #tpu.memory_space<semaphore_mem>>)
    %dma_start3A_5 = arith.constant 0 : i32
    %dma_start3A_6 = arith.constant 0 : i32
    %dma_start3A_7 = tpu.memref_slice %arg6[%dma_start3A_5, %dma_start3A_6] : memref<2048x128xi32, #tpu.memory_space<hbm>> -> memref<2048x128xi32, #tpu.memory_space<hbm>>
    tpu.enqueue_indirect_dma source(%arg9 : memref<64x128xi32, #tpu.memory_space<vmem>>) target(%dma_start3A_7 : memref<2048x128xi32, #tpu.memory_space<hbm>>) offsets(%arg7 : memref<64xi32, #tpu.memory_space<vmem>>) semaphore(%arg11 : memref<!tpu.dma_semaphore, #tpu.memory_space<semaphore_mem>>)
    %dma_wait3A = arith.constant 0 : i32
    %dma_wait3A_8 = arith.constant 0 : i32
    %dma_wait3A_9 = tpu.memref_slice %arg5[%dma_wait3A, %dma_wait3A_8] : memref<2048x512xi32, #tpu.memory_space<hbm>> -> memref<2048x512xi32, #tpu.memory_space<hbm>>
    tpu.wait_indirect_dma semaphore(%arg10 : memref<!tpu.dma_semaphore, #tpu.memory_space<semaphore_mem>>) src(%arg8 : memref<64x512xi32, #tpu.memory_space<vmem>>) dst(%dma_wait3A_9 : memref<2048x512xi32, #tpu.memory_space<hbm>>)
    %dma_wait3A_10 = arith.constant 0 : i32
    %dma_wait3A_11 = arith.constant 0 : i32
    %dma_wait3A_12 = tpu.memref_slice %arg6[%dma_wait3A_10, %dma_wait3A_11] : memref<2048x128xi32, #tpu.memory_space<hbm>> -> memref<2048x128xi32, #tpu.memory_space<hbm>>
    tpu.wait_indirect_dma semaphore(%arg11 : memref<!tpu.dma_semaphore, #tpu.memory_space<semaphore_mem>>) src(%arg9 : memref<64x128xi32, #tpu.memory_space<vmem>>) dst(%dma_wait3A_12 : memref<2048x128xi32, #tpu.memory_space<hbm>>)
    return
  }
}

#map = affine_map<(d0, d1) -> (0, 0)>
#map1 = affine_map<(d0, d1) -> (0)>
module attributes {stable_mosaic.version = 14 : i64} {
  func.func @_invgather_body(%arg0: i32, %arg1: i32, %arg2: memref<2048x512xi32, #tpu.memory_space<hbm>>, %arg3: memref<2048xi32, #tpu.memory_space<hbm>>, %arg4: memref<2048x512xi32, #tpu.memory_space<hbm>>, %arg5: memref<64xi32, #tpu.memory_space<vmem>>, %arg6: memref<64x512xi32, #tpu.memory_space<vmem>>, %arg7: memref<!tpu.dma_semaphore, #tpu.memory_space<semaphore_mem>>) attributes {dimension_semantics = [#tpu.dimension_semantics<core_parallel>, #tpu.dimension_semantics<subcore_parallel>], iteration_bounds = array<i64: 2, 16>, scalar_prefetch = 0 : i64, scratch_operands = 3 : i64, tpu.core_type = #tpu.core_type<sc_vector_subcore>, window_params = [{transform_indices = #map}, {transform_indices = #map1}, {transform_indices = #map}]} {
    %mul3A = arith.constant 2 : i32
    %mul3A_0 = arith.muli %arg1, %mul3A : i32
    %add3A = arith.addi %mul3A_0, %arg0 : i32
    %mul3A_1 = arith.constant 64 : i32
    %mul3A_2 = arith.muli %add3A, %mul3A_1 : i32
    "tpu.region"() ({
      %run_scoped3A = tpu.sem_alloc : memref<!tpu.dma_semaphore, #tpu.memory_space<semaphore_mem>>
      %dma_start3A_7 = tpu.memref_slice %arg3[%mul3A_2] : memref<2048xi32, #tpu.memory_space<hbm>> -> memref<64xi32, #tpu.memory_space<hbm>>
      %dma_start3A_8 = tpu.memref_slice %arg3[%mul3A_2] : memref<2048xi32, #tpu.memory_space<hbm>> -> memref<64xi32, #tpu.memory_space<hbm>>
      tpu.enqueue_dma source(%dma_start3A_8 : memref<64xi32, #tpu.memory_space<hbm>>) target(%arg5 : memref<64xi32, #tpu.memory_space<vmem>>) target_semaphore(%run_scoped3A : memref<!tpu.dma_semaphore, #tpu.memory_space<semaphore_mem>>)
      %dma_wait3A_9 = tpu.memref_slice %arg3[%mul3A_2] : memref<2048xi32, #tpu.memory_space<hbm>> -> memref<64xi32, #tpu.memory_space<hbm>>
      %dma_wait3A_10 = tpu.memref_slice %arg3[%mul3A_2] : memref<2048xi32, #tpu.memory_space<hbm>> -> memref<64xi32, #tpu.memory_space<hbm>>
      tpu.wait_dma2 semaphore(%run_scoped3A : memref<!tpu.dma_semaphore, #tpu.memory_space<semaphore_mem>>) src(%dma_wait3A_10 : memref<64xi32, #tpu.memory_space<hbm>>) dst(%arg5 : memref<64xi32, #tpu.memory_space<vmem>>)
      tpu.yield
    }) : () -> ()
    %dma_start3A = arith.constant 0 : i32
    %dma_start3A_3 = arith.constant 0 : i32
    %dma_start3A_4 = tpu.memref_slice %arg2[%dma_start3A, %dma_start3A_3] : memref<2048x512xi32, #tpu.memory_space<hbm>> -> memref<2048x512xi32, #tpu.memory_space<hbm>>
    tpu.enqueue_indirect_dma source(%dma_start3A_4 : memref<2048x512xi32, #tpu.memory_space<hbm>>) target(%arg6 : memref<64x512xi32, #tpu.memory_space<vmem>>) offsets(%arg5 : memref<64xi32, #tpu.memory_space<vmem>>) semaphore(%arg7 : memref<!tpu.dma_semaphore, #tpu.memory_space<semaphore_mem>>)
    %dma_wait3A = arith.constant 0 : i32
    %dma_wait3A_5 = arith.constant 0 : i32
    %dma_wait3A_6 = tpu.memref_slice %arg2[%dma_wait3A, %dma_wait3A_5] : memref<2048x512xi32, #tpu.memory_space<hbm>> -> memref<2048x512xi32, #tpu.memory_space<hbm>>
    tpu.wait_indirect_dma semaphore(%arg7 : memref<!tpu.dma_semaphore, #tpu.memory_space<semaphore_mem>>) src(%dma_wait3A_6 : memref<2048x512xi32, #tpu.memory_space<hbm>>) dst(%arg6 : memref<64x512xi32, #tpu.memory_space<vmem>>)
    "tpu.region"() ({
      %run_scoped3A = tpu.sem_alloc : memref<!tpu.dma_semaphore, #tpu.memory_space<semaphore_mem>>
      %dma_start3A_7 = arith.constant 0 : i32
      %dma_start3A_8 = tpu.memref_slice %arg4[%mul3A_2, %dma_start3A_7] : memref<2048x512xi32, #tpu.memory_space<hbm>> -> memref<64x512xi32, #tpu.memory_space<hbm>>
      %dma_start3A_9 = arith.constant 0 : i32
      %dma_start3A_10 = tpu.memref_slice %arg4[%mul3A_2, %dma_start3A_9] : memref<2048x512xi32, #tpu.memory_space<hbm>> -> memref<64x512xi32, #tpu.memory_space<hbm>>
      tpu.enqueue_dma source(%arg6 : memref<64x512xi32, #tpu.memory_space<vmem>>) target(%dma_start3A_10 : memref<64x512xi32, #tpu.memory_space<hbm>>) target_semaphore(%run_scoped3A : memref<!tpu.dma_semaphore, #tpu.memory_space<semaphore_mem>>)
      %dma_wait3A_11 = arith.constant 0 : i32
      %dma_wait3A_12 = tpu.memref_slice %arg4[%mul3A_2, %dma_wait3A_11] : memref<2048x512xi32, #tpu.memory_space<hbm>> -> memref<64x512xi32, #tpu.memory_space<hbm>>
      %dma_wait3A_13 = arith.constant 0 : i32
      %dma_wait3A_14 = tpu.memref_slice %arg4[%mul3A_2, %dma_wait3A_13] : memref<2048x512xi32, #tpu.memory_space<hbm>> -> memref<64x512xi32, #tpu.memory_space<hbm>>
      tpu.wait_dma2 semaphore(%run_scoped3A : memref<!tpu.dma_semaphore, #tpu.memory_space<semaphore_mem>>) src(%arg6 : memref<64x512xi32, #tpu.memory_space<vmem>>) dst(%dma_wait3A_14 : memref<64x512xi32, #tpu.memory_space<hbm>>)
      tpu.yield
    }) : () -> ()
    return
  }
}

module attributes {stable_mosaic.version = 14 : i64} {
  func.func @_prologue_body(%arg0: i32, %arg1: memref<256x1024xf32, #tpu.memory_space<vmem>>, %arg2: memref<1024x1xf32, #tpu.memory_space<vmem>>, %arg3: memref<1x1xf32, #tpu.memory_space<vmem>>, %arg4: memref<1x1024xf32, #tpu.memory_space<vmem>>, %arg5: memref<1x1024xf32, #tpu.memory_space<vmem>>, %arg6: memref<1x1024xf32, #tpu.memory_space<vmem>>, %arg7: memref<1x1024xf32, #tpu.memory_space<vmem>>, %arg8: memref<256x128xf32, #tpu.memory_space<vmem>>, %arg9: memref<256x128xf32, #tpu.memory_space<vmem>>, %arg10: memref<1024x1536xbf16, #tpu.memory_space<vmem>>, %arg11: memref<1x4096xf32, #tpu.memory_space<vmem>>, %arg12: memref<1x1024xf32, #tpu.memory_space<vmem>>, %arg13: memref<1024x4096xf8E4M3FN, #tpu.memory_space<vmem>>, %arg14: memref<4096x1024xf8E4M3FN, #tpu.memory_space<vmem>>, %arg15: memref<256x1024xbf16, #tpu.memory_space<vmem>>, %arg16: memref<256x256xbf16, #tpu.memory_space<vmem>>, %arg17: memref<256x256xbf16, #tpu.memory_space<vmem>>, %arg18: memref<256x1024xf32, #tpu.memory_space<vmem>>, %arg19: memref<256x1xf32, #tpu.memory_space<vmem>>, %arg20: memref<256x1xi32, #tpu.memory_space<vmem>>, %arg21: memref<1x1xf32, #tpu.memory_space<vmem>>, %arg22: memref<2x1024xf32, #tpu.memory_space<vmem>>, %arg23: memref<1x1xf32, #tpu.memory_space<smem>>, %arg24: memref<1x1xf32, #tpu.memory_space<smem>>) attributes {dimension_semantics = [#tpu.dimension_semantics<arbitrary>], iteration_bounds = array<i64: 8>, scalar_prefetch = 0 : i64, scratch_operands = 3 : i64, tpu.core_type = #tpu.core_type<tc>, window_params = [{transform_indices = @transform_0, window_bounds = array<i64: 256, 1024>}, {pipeline_mode = #tpu.pipeline_mode<synchronous>, transform_indices = @transform_1, window_bounds = array<i64: 1024, 1>}, {pipeline_mode = #tpu.pipeline_mode<synchronous>, transform_indices = @transform_2, window_bounds = array<i64: 1, 1>}, {pipeline_mode = #tpu.pipeline_mode<synchronous>, transform_indices = @transform_3, window_bounds = array<i64: 1, 1024>}, {pipeline_mode = #tpu.pipeline_mode<synchronous>, transform_indices = @transform_4, window_bounds = array<i64: 1, 1024>}, {pipeline_mode = #tpu.pipeline_mode<synchronous>, transform_indices = @transform_5, window_bounds = array<i64: 1, 1024>}, {pipeline_mode = #tpu.pipeline_mode<synchronous>, transform_indices = @transform_6, window_bounds = array<i64: 1, 1024>}, {transform_indices = @transform_7, window_bounds = array<i64: 256, 128>}, {transform_indices = @transform_8, window_bounds = array<i64: 256, 128>}, {pipeline_mode = #tpu.pipeline_mode<synchronous>, transform_indices = @transform_9, window_bounds = array<i64: 1024, 1536>}, {pipeline_mode = #tpu.pipeline_mode<synchronous>, transform_indices = @transform_10, window_bounds = array<i64: 1, 4096>}, {pipeline_mode = #tpu.pipeline_mode<synchronous>, transform_indices = @transform_11, window_bounds = array<i64: 1, 1024>}, {pipeline_mode = #tpu.pipeline_mode<synchronous>, transform_indices = @transform_12, window_bounds = array<i64: 1024, 4096>}, {pipeline_mode = #tpu.pipeline_mode<synchronous>, transform_indices = @transform_13, window_bounds = array<i64: 4096, 1024>}, {transform_indices = @transform_14, window_bounds = array<i64: 256, 1024>}, {transform_indices = @transform_15, window_bounds = array<i64: 256, 256>}, {transform_indices = @transform_16, window_bounds = array<i64: 256, 256>}, {transform_indices = @transform_17, window_bounds = array<i64: 256, 1024>}, {transform_indices = @transform_18, window_bounds = array<i64: 256, 1>}, {transform_indices = @transform_19, window_bounds = array<i64: 256, 1>}, {pipeline_mode = #tpu.pipeline_mode<synchronous>, transform_indices = @transform_20, window_bounds = array<i64: 1, 1>}]} {
    %get3A = arith.constant 0 : index
    %get3A_0 = arith.constant 0 : index
    %get3A_1 = vector.load %arg1[%get3A, %get3A_0] : memref<256x1024xf32, #tpu.memory_space<vmem>>, vector<256x1024xf32>
    %get3A_2 = arith.constant 0 : index
    %get3A_3 = arith.constant 0 : index
    %get3A_4 = vector.load %arg2[%get3A_2, %get3A_3] : memref<1024x1xf32, #tpu.memory_space<vmem>>, vector<1024x1xf32>
    %dot_general3A = arith.constant dense<0.000000e+00> : vector<256x1xf32>
    %dot_general3A_5 = tpu.matmul %get3A_1, %get3A_4, %dot_general3A {dimension_numbers = #tpu.dot_dimension_numbers<[1], [0], [0], [1], [0, 0, 1, 1], [], []>, transpose_lhs_hint = false} : vector<256x1024xf32>, vector<1024x1xf32>, vector<256x1xf32> -> vector<256x1xf32>
    %get3A_6 = arith.constant 0 : index
    %get3A_7 = arith.constant 0 : index
    %get3A_8 = vector.load %arg3[%get3A_6, %get3A_7] : memref<1x1xf32, #tpu.memory_space<vmem>>, vector<1x1xf32>
    %get3A_9 = vector.extract %get3A_8[0, 0] : f32 from vector<1x1xf32>
    %add3A = vector.broadcast %get3A_9 : f32 to vector<256x1xf32>
    %add3A_10 = arith.addf %dot_general3A_5, %add3A : vector<256x1xf32>
    %neg3A = arith.constant 0.000000e+00 : f32
    %neg3A_11 = vector.broadcast %neg3A : f32 to vector<256x1xf32>
    %neg3A_12 = arith.subf %neg3A_11, %add3A_10 : vector<256x1xf32>
    %exp3A = math.exp %neg3A_12 : vector<256x1xf32>
    %add3A_13 = arith.constant 1.000000e+00 : f32
    %add3A_14 = vector.broadcast %add3A_13 : f32 to vector<256x1xf32>
    %add3A_15 = arith.addf %add3A_14, %exp3A : vector<256x1xf32>
    %div3A = arith.constant 1.000000e+00 : f32
    %div3A_16 = vector.broadcast %div3A : f32 to vector<256x1xf32>
    %div3A_17 = arith.divf %div3A_16, %add3A_15 : vector<256x1xf32>
    %gt3A = arith.constant 5.000000e-01 : f32
    %gt3A_18 = vector.broadcast %gt3A : f32 to vector<256x1xf32>
    %gt3A_19 = arith.cmpf ogt, %div3A_17, %gt3A_18 : vector<256x1xf32>
    %convert_element_type3A = arith.extui %gt3A_19 : vector<256x1xi1> to vector<256x1xi32>
    %convert_element_type3A_20 = arith.sitofp %convert_element_type3A : vector<256x1xi32> to vector<256x1xf32>
    %swap3A = arith.constant 0 : index
    %swap3A_21 = arith.constant 0 : index
    %swap3A_22 = vector.load %arg19[%swap3A, %swap3A_21] : memref<256x1xf32, #tpu.memory_space<vmem>>, vector<256x1xf32>
    tpu.vector_store %arg19[%swap3A, %swap3A_21], %convert_element_type3A_20 {strides = array<i32>} : memref<256x1xf32, #tpu.memory_space<vmem>>, vector<256x1xf32>,
    %eq3A = arith.constant 0 : i32
    %eq3A_23 = arith.cmpi eq, %arg0, %eq3A : i32
    %convert_element_type3A_24 = arith.extui %eq3A_23 : i1 to i32
    %cond3A = arith.constant 0 : i32
    %cond3A_25 = arith.cmpi ne, %convert_element_type3A_24, %cond3A : i32
    scf.if %cond3A_25 {
      %swap3A_262 = arith.constant 0.000000e+00 : f32
      %swap3A_263 = arith.constant 0 : index
      %swap3A_264 = arith.constant 0 : index
      %swap3A_265 = memref.load %arg23[%swap3A_263, %swap3A_264] : memref<1x1xf32, #tpu.memory_space<smem>>
      memref.store %swap3A_262, %arg23[%swap3A_263, %swap3A_264] : memref<1x1xf32, #tpu.memory_space<smem>>
      %swap3A_266 = arith.constant 0.000000e+00 : f32
      %swap3A_267 = arith.constant 0 : index
      %swap3A_268 = arith.constant 0 : index
      %swap3A_269 = memref.load %arg24[%swap3A_267, %swap3A_268] : memref<1x1xf32, #tpu.memory_space<smem>>
      memref.store %swap3A_266, %arg24[%swap3A_267, %swap3A_268] : memref<1x1xf32, #tpu.memory_space<smem>>
      %broadcast_in_dim3A_270 = arith.constant 0.000000e+00 : f32
      %broadcast_in_dim3A_271 = vector.broadcast %broadcast_in_dim3A_270 : f32 to vector<2x1024xf32>
      %swap3A_272 = arith.constant 0 : index
      %swap3A_273 = arith.constant 0 : index
      %swap3A_274 = vector.load %arg22[%swap3A_272, %swap3A_273] : memref<2x1024xf32, #tpu.memory_space<vmem>>, vector<2x1024xf32>
      tpu.vector_store %arg22[%swap3A_272, %swap3A_273], %broadcast_in_dim3A_271 {strides = array<i32>} : memref<2x1024xf32, #tpu.memory_space<vmem>>, vector<2x1024xf32>,
    } else {
    }
    %get3A_26 = arith.constant 0 : index
    %get3A_27 = arith.constant 0 : index
    %get3A_28 = memref.load %arg23[%get3A_26, %get3A_27] : memref<1x1xf32, #tpu.memory_space<smem>>
    %reduce_sum3A = vector.shape_cast %div3A_17 : vector<256x1xf32> to vector<1x256x1xf32>
    %reduce_sum3A_29 = arith.constant dense<0.000000e+00> : vector<1xf32>
    %reduce_sum3A_30 = vector.multi_reduction <add>, %reduce_sum3A, %reduce_sum3A_29 [1, 2] : vector<1x256x1xf32> to vector<1xf32>
    %reduce_sum3A_31 = vector.shape_cast %reduce_sum3A_30 : vector<1xf32> to vector<1x1x1xf32>
    %reduce_sum3A_32 = vector.extract %reduce_sum3A_31[0, 0, 0] : f32 from vector<1x1x1xf32>
    %add3A_33 = arith.addf %get3A_28, %reduce_sum3A_32 : f32
    %swap3A_34 = arith.constant 0 : index
    %swap3A_35 = arith.constant 0 : index
    %swap3A_36 = memref.load %arg23[%swap3A_34, %swap3A_35] : memref<1x1xf32, #tpu.memory_space<smem>>
    memref.store %add3A_33, %arg23[%swap3A_34, %swap3A_35] : memref<1x1xf32, #tpu.memory_space<smem>>
    %get3A_37 = arith.constant 0 : index
    %get3A_38 = arith.constant 0 : index
    %get3A_39 = memref.load %arg23[%get3A_37, %get3A_38] : memref<1x1xf32, #tpu.memory_space<smem>>
    %div3A_40 = arith.constant 2.048000e+03 : f32
    %div3A_41 = arith.divf %get3A_39, %div3A_40 : f32
    %sub3A = arith.constant 2.000000e-01 : f32
    %sub3A_42 = arith.subf %div3A_41, %sub3A : f32
    %integer_pow3A = arith.mulf %sub3A_42, %sub3A_42 : f32
    %broadcast_in_dim3A = vector.broadcast %integer_pow3A : f32 to vector<1x1xf32>
    %swap3A_43 = arith.constant 0 : index
    %swap3A_44 = arith.constant 0 : index
    %swap3A_45 = vector.load %arg21[%swap3A_43, %swap3A_44] : memref<1x1xf32, #tpu.memory_space<vmem>>, vector<1x1xf32>
    tpu.vector_store %arg21[%swap3A_43, %swap3A_44], %broadcast_in_dim3A {strides = array<i32>} : memref<1x1xf32, #tpu.memory_space<vmem>>, vector<1x1xf32>,
    %iota3A = tpu.iota {dimensions = array<i32: 0>} : vector<256x256xi32>
    %iota3A_46 = tpu.iota {dimensions = array<i32: 1>} : vector<256x256xi32>
    %ge3A = arith.cmpi sge, %iota3A, %iota3A_46 : vector<256x256xi32>
    %convert_element_type3A_47 = arith.extui %ge3A : vector<256x256xi1> to vector<256x256xi32>
    %convert_element_type3A_48 = arith.sitofp %convert_element_type3A_47 : vector<256x256xi32> to vector<256x256xf32>
    %dot_general3A_49 = arith.constant dense<0.000000e+00> : vector<256x1xf32>
    %dot_general3A_50 = tpu.matmul %convert_element_type3A_48, %convert_element_type3A_20, %dot_general3A_49 {dimension_numbers = #tpu.dot_dimension_numbers<[1], [0], [0], [1], [0, 0, 1, 1], [], []>, transpose_lhs_hint = false} : vector<256x256xf32>, vector<256x1xf32>, vector<256x1xf32> -> vector<256x1xf32>
    %mul3A = arith.constant 256 : i32
    %mul3A_51 = arith.muli %arg0, %mul3A : i32
    %add3A_52 = arith.constant 1 : i32
    %add3A_53 = arith.addi %mul3A_51, %add3A_52 : i32
    %iota3A_54 = tpu.iota {dimensions = array<i32: 0>} : vector<256x1xi32>
    %add3A_55 = vector.broadcast %add3A_53 : i32 to vector<256x1xi32>
    %add3A_56 = arith.addi %add3A_55, %iota3A_54 : vector<256x1xi32>
    %convert_element_type3A_57 = arith.sitofp %add3A_56 : vector<256x1xi32> to vector<256x1xf32>
    %get3A_58 = arith.constant 0 : index
    %get3A_59 = arith.constant 0 : index
    %get3A_60 = memref.load %arg24[%get3A_58, %get3A_59] : memref<1x1xf32, #tpu.memory_space<smem>>
    %add3A_61 = vector.broadcast %get3A_60 : f32 to vector<256x1xf32>
    %add3A_62 = arith.addf %add3A_61, %dot_general3A_50 : vector<256x1xf32>
    %sub3A_63 = arith.subf %convert_element_type3A_57, %add3A_62 : vector<256x1xf32>
    %sub3A_64 = arith.constant 1.000000e+00 : f32
    %sub3A_65 = vector.broadcast %sub3A_64 : f32 to vector<256x1xf32>
    %sub3A_66 = arith.subf %add3A_62, %sub3A_65 : vector<256x1xf32>
    %mul3A_67 = arith.mulf %convert_element_type3A_20, %sub3A_66 : vector<256x1xf32>
    %sub3A_68 = arith.constant 1.000000e+00 : f32
    %sub3A_69 = vector.broadcast %sub3A_68 : f32 to vector<256x1xf32>
    %sub3A_70 = arith.subf %sub3A_69, %convert_element_type3A_20 : vector<256x1xf32>
    %sub3A_71 = arith.constant 2.048000e+03 : f32
    %sub3A_72 = vector.broadcast %sub3A_71 : f32 to vector<256x1xf32>
    %sub3A_73 = arith.subf %sub3A_72, %sub3A_63 : vector<256x1xf32>
    %mul3A_74 = arith.mulf %sub3A_70, %sub3A_73 : vector<256x1xf32>
    %add3A_75 = arith.addf %mul3A_67, %mul3A_74 : vector<256x1xf32>
    %convert_element_type3A_76 = arith.fptosi %add3A_75 : vector<256x1xf32> to vector<256x1xi32>
    %swap3A_77 = arith.constant 0 : index
    %swap3A_78 = arith.constant 0 : index
    %swap3A_79 = vector.load %arg20[%swap3A_77, %swap3A_78] : memref<256x1xi32, #tpu.memory_space<vmem>>, vector<256x1xi32>
    tpu.vector_store %arg20[%swap3A_77, %swap3A_78], %convert_element_type3A_76 {strides = array<i32>} : memref<256x1xi32, #tpu.memory_space<vmem>>, vector<256x1xi32>,
    %get3A_80 = arith.constant 0 : index
    %get3A_81 = arith.constant 0 : index
    %get3A_82 = memref.load %arg24[%get3A_80, %get3A_81] : memref<1x1xf32, #tpu.memory_space<smem>>
    %reduce_sum3A_83 = vector.shape_cast %convert_element_type3A_20 : vector<256x1xf32> to vector<1x256x1xf32>
    %reduce_sum3A_84 = arith.constant dense<0.000000e+00> : vector<1xf32>
    %reduce_sum3A_85 = vector.multi_reduction <add>, %reduce_sum3A_83, %reduce_sum3A_84 [1, 2] : vector<1x256x1xf32> to vector<1xf32>
    %reduce_sum3A_86 = vector.shape_cast %reduce_sum3A_85 : vector<1xf32> to vector<1x1x1xf32>
    %reduce_sum3A_87 = vector.extract %reduce_sum3A_86[0, 0, 0] : f32 from vector<1x1x1xf32>
    %add3A_88 = arith.addf %get3A_82, %reduce_sum3A_87 : f32
    %swap3A_89 = arith.constant 0 : index
    %swap3A_90 = arith.constant 0 : index
    %swap3A_91 = memref.load %arg24[%swap3A_89, %swap3A_90] : memref<1x1xf32, #tpu.memory_space<smem>>
    memref.store %add3A_88, %arg24[%swap3A_89, %swap3A_90] : memref<1x1xf32, #tpu.memory_space<smem>>
    %get3A_92 = arith.constant 0 : index
    %get3A_93 = arith.constant 0 : index
    %get3A_94 = vector.load %arg22[%get3A_92, %get3A_93] : memref<2x1024xf32, #tpu.memory_space<vmem>>, vector<2x1024xf32>
    %slice3A = vector.extract_strided_slice %get3A_94 {offsets = [1, 0], sizes = [1, 1024], strides = [1, 1]} : vector<2x1024xf32> to vector<1x1024xf32>
    %slice3A_95 = vector.extract_strided_slice %get3A_1 {offsets = [0, 0], sizes = [255, 1024], strides = [1, 1]} : vector<256x1024xf32> to vector<255x1024xf32>
    %concatenate3A = tpu.concatenate %slice3A, %slice3A_95 in 0 : vector<1x1024xf32>, vector<255x1024xf32> -> vector<256x1024xf32>
    %slice3A_96 = vector.extract_strided_slice %get3A_1 {offsets = [0, 0], sizes = [254, 1024], strides = [1, 1]} : vector<256x1024xf32> to vector<254x1024xf32>
    %concatenate3A_97 = tpu.concatenate %get3A_94, %slice3A_96 in 0 : vector<2x1024xf32>, vector<254x1024xf32> -> vector<256x1024xf32>
    %get3A_98 = arith.constant 0 : index
    %get3A_99 = arith.constant 0 : index
    %get3A_100 = vector.load %arg6[%get3A_98, %get3A_99] : memref<1x1024xf32, #tpu.memory_space<vmem>>, vector<1x1024xf32>
    %mul3A_101 = vector.broadcast %get3A_100 : vector<1x1024xf32> to vector<256x1024xf32>
    %mul3A_102 = arith.mulf %get3A_1, %mul3A_101 : vector<256x1024xf32>
    %get3A_103 = arith.constant 0 : index
    %get3A_104 = arith.constant 0 : index
    %get3A_105 = vector.load %arg5[%get3A_103, %get3A_104] : memref<1x1024xf32, #tpu.memory_space<vmem>>, vector<1x1024xf32>
    %mul3A_106 = vector.broadcast %get3A_105 : vector<1x1024xf32> to vector<256x1024xf32>
    %mul3A_107 = arith.mulf %concatenate3A, %mul3A_106 : vector<256x1024xf32>
    %add3A_108 = arith.addf %mul3A_102, %mul3A_107 : vector<256x1024xf32>
    %get3A_109 = arith.constant 0 : index
    %get3A_110 = arith.constant 0 : index
    %get3A_111 = vector.load %arg4[%get3A_109, %get3A_110] : memref<1x1024xf32, #tpu.memory_space<vmem>>, vector<1x1024xf32>
    %mul3A_112 = vector.broadcast %get3A_111 : vector<1x1024xf32> to vector<256x1024xf32>
    %mul3A_113 = arith.mulf %concatenate3A_97, %mul3A_112 : vector<256x1024xf32>
    %add3A_114 = arith.addf %add3A_108, %mul3A_113 : vector<256x1024xf32>
    %get3A_115 = arith.constant 0 : index
    %get3A_116 = arith.constant 0 : index
    %get3A_117 = vector.load %arg7[%get3A_115, %get3A_116] : memref<1x1024xf32, #tpu.memory_space<vmem>>, vector<1x1024xf32>
    %add3A_118 = vector.broadcast %get3A_117 : vector<1x1024xf32> to vector<256x1024xf32>
    %add3A_119 = arith.addf %add3A_114, %add3A_118 : vector<256x1024xf32>
    %slice3A_120 = vector.extract_strided_slice %get3A_1 {offsets = [254, 0], sizes = [2, 1024], strides = [1, 1]} : vector<256x1024xf32> to vector<2x1024xf32>
    %swap3A_121 = arith.constant 0 : index
    %swap3A_122 = arith.constant 0 : index
    %swap3A_123 = vector.load %arg22[%swap3A_121, %swap3A_122] : memref<2x1024xf32, #tpu.memory_space<vmem>>, vector<2x1024xf32>
    tpu.vector_store %arg22[%swap3A_121, %swap3A_122], %slice3A_120 {strides = array<i32>} : memref<2x1024xf32, #tpu.memory_space<vmem>>, vector<2x1024xf32>,
    %mul3A_124 = arith.constant 3.200000e+01 : f32
    %mul3A_125 = vector.broadcast %mul3A_124 : f32 to vector<256x1024xf32>
    %mul3A_126 = arith.mulf %add3A_119, %mul3A_125 : vector<256x1024xf32>
    %convert_element_type3A_127 = arith.truncf %mul3A_126 : vector<256x1024xf32> to vector<256x1024xf8E4M3FN>
    %get3A_128 = arith.constant 0 : index
    %get3A_129 = arith.constant 0 : index
    %get3A_130 = vector.load %arg13[%get3A_128, %get3A_129] : memref<1024x4096xf8E4M3FN, #tpu.memory_space<vmem>>, vector<1024x4096xf8E4M3FN>
    %dot_general3A_131 = arith.constant dense<0.000000e+00> : vector<256x4096xf32>
    %dot_general3A_132 = tpu.matmul %convert_element_type3A_127, %get3A_130, %dot_general3A_131 {dimension_numbers = #tpu.dot_dimension_numbers<[1], [0], [0], [1], [0, 0, 1, 1], [], []>, transpose_lhs_hint = false} : vector<256x1024xf8E4M3FN>, vector<1024x4096xf8E4M3FN>, vector<256x4096xf32> -> vector<256x4096xf32>
    %get3A_133 = arith.constant 0 : index
    %get3A_134 = arith.constant 0 : index
    %get3A_135 = vector.load %arg11[%get3A_133, %get3A_134] : memref<1x4096xf32, #tpu.memory_space<vmem>>, vector<1x4096xf32>
    %mul3A_136 = arith.constant 1.024000e+03 : f32
    %mul3A_137 = vector.broadcast %mul3A_136 : f32 to vector<1x4096xf32>
    %mul3A_138 = arith.mulf %get3A_135, %mul3A_137 : vector<1x4096xf32>
    %add3A_139 = vector.broadcast %mul3A_138 : vector<1x4096xf32> to vector<256x4096xf32>
    %add3A_140 = arith.addf %dot_general3A_132, %add3A_139 : vector<256x4096xf32>
    %max3A = arith.constant 0.000000e+00 : f32
    %max3A_141 = vector.broadcast %max3A : f32 to vector<256x4096xf32>
    %max3A_142 = arith.maximumf %add3A_140, %max3A_141 : vector<256x4096xf32>
    %convert_element_type3A_143 = arith.truncf %max3A_142 : vector<256x4096xf32> to vector<256x4096xf8E4M3FN>
    %get3A_144 = arith.constant 0 : index
    %get3A_145 = arith.constant 0 : index
    %get3A_146 = vector.load %arg14[%get3A_144, %get3A_145] : memref<4096x1024xf8E4M3FN, #tpu.memory_space<vmem>>, vector<4096x1024xf8E4M3FN>
    %dot_general3A_147 = arith.constant dense<0.000000e+00> : vector<256x1024xf32>
    %dot_general3A_148 = tpu.matmul %convert_element_type3A_143, %get3A_146, %dot_general3A_147 {dimension_numbers = #tpu.dot_dimension_numbers<[1], [0], [0], [1], [0, 0, 1, 1], [], []>, transpose_lhs_hint = false} : vector<256x4096xf8E4M3FN>, vector<4096x1024xf8E4M3FN>, vector<256x1024xf32> -> vector<256x1024xf32>
    %mul3A_149 = arith.constant 1.52587891E-5 : f32
    %mul3A_150 = vector.broadcast %mul3A_149 : f32 to vector<256x1024xf32>
    %mul3A_151 = arith.mulf %dot_general3A_148, %mul3A_150 : vector<256x1024xf32>
    %get3A_152 = arith.constant 0 : index
    %get3A_153 = arith.constant 0 : index
    %get3A_154 = vector.load %arg12[%get3A_152, %get3A_153] : memref<1x1024xf32, #tpu.memory_space<vmem>>, vector<1x1024xf32>
    %add3A_155 = vector.broadcast %get3A_154 : vector<1x1024xf32> to vector<256x1024xf32>
    %add3A_156 = arith.addf %mul3A_151, %add3A_155 : vector<256x1024xf32>
    %swap3A_157 = arith.constant 0 : index
    %swap3A_158 = arith.constant 0 : index
    %swap3A_159 = vector.load %arg18[%swap3A_157, %swap3A_158] : memref<256x1024xf32, #tpu.memory_space<vmem>>, vector<256x1024xf32>
    tpu.vector_store %arg18[%swap3A_157, %swap3A_158], %add3A_156 {strides = array<i32>} : memref<256x1024xf32, #tpu.memory_space<vmem>>, vector<256x1024xf32>,
    %convert_element_type3A_160 = arith.truncf %get3A_1 : vector<256x1024xf32> to vector<256x1024xbf16>
    %get3A_161 = arith.constant 0 : index
    %get3A_162 = arith.constant 0 : index
    %get3A_163 = vector.load %arg10[%get3A_161, %get3A_162] : memref<1024x1536xbf16, #tpu.memory_space<vmem>>, vector<1024x1536xbf16>
    %dot_general3A_164 = arith.constant dense<0.000000e+00> : vector<256x1536xf32>
    %dot_general3A_165 = tpu.matmul %convert_element_type3A_160, %get3A_163, %dot_general3A_164 {dimension_numbers = #tpu.dot_dimension_numbers<[1], [0], [0], [1], [0, 0, 1, 1], [], []>, transpose_lhs_hint = false} : vector<256x1024xbf16>, vector<1024x1536xbf16>, vector<256x1536xf32> -> vector<256x1536xf32>
    %slice3A_166 = vector.extract_strided_slice %dot_general3A_165 {offsets = [0, 0], sizes = [256, 1024], strides = [1, 1]} : vector<256x1536xf32> to vector<256x1024xf32>
    %slice3A_167 = vector.extract_strided_slice %dot_general3A_165 {offsets = [0, 1024], sizes = [256, 256], strides = [1, 1]} : vector<256x1536xf32> to vector<256x256xf32>
    %slice3A_168 = vector.extract_strided_slice %dot_general3A_165 {offsets = [0, 1280], sizes = [256, 256], strides = [1, 1]} : vector<256x1536xf32> to vector<256x256xf32>
    %get3A_169 = arith.constant 0 : index
    %get3A_170 = arith.constant 0 : index
    %get3A_171 = vector.load %arg8[%get3A_169, %get3A_170] : memref<256x128xf32, #tpu.memory_space<vmem>>, vector<256x128xf32>
    %get3A_172 = arith.constant 0 : index
    %get3A_173 = arith.constant 0 : index
    %get3A_174 = vector.load %arg9[%get3A_172, %get3A_173] : memref<256x128xf32, #tpu.memory_space<vmem>>, vector<256x128xf32>
    %concatenate3A_175 = tpu.concatenate %get3A_171, %get3A_171, %get3A_171, %get3A_171, %get3A_171, %get3A_171, %get3A_171, %get3A_171 in 1 : vector<256x128xf32>, vector<256x128xf32>, vector<256x128xf32>, vector<256x128xf32>, vector<256x128xf32>, vector<256x128xf32>, vector<256x128xf32>, vector<256x128xf32> -> vector<256x1024xf32>
    %concatenate3A_176 = tpu.concatenate %get3A_174, %get3A_174, %get3A_174, %get3A_174, %get3A_174, %get3A_174, %get3A_174, %get3A_174 in 1 : vector<256x128xf32>, vector<256x128xf32>, vector<256x128xf32>, vector<256x128xf32>, vector<256x128xf32>, vector<256x128xf32>, vector<256x128xf32>, vector<256x128xf32> -> vector<256x1024xf32>
    %concatenate3A_177 = tpu.concatenate %get3A_171, %get3A_171 in 1 : vector<256x128xf32>, vector<256x128xf32> -> vector<256x256xf32>
    %concatenate3A_178 = tpu.concatenate %get3A_174, %get3A_174 in 1 : vector<256x128xf32>, vector<256x128xf32> -> vector<256x256xf32>
    %roll3A = arith.constant 32 : i32
    %roll3A_179 = tpu.dynamic_rotate %slice3A_166 by %roll3A dim 1 : vector<256x1024xf32>, i32 -> vector<256x1024xf32>
    %roll3A_180 = arith.constant 992 : i32
    %roll3A_181 = tpu.dynamic_rotate %slice3A_166 by %roll3A_180 dim 1 : vector<256x1024xf32>, i32 -> vector<256x1024xf32>
    %iota3A_182 = tpu.iota {dimensions = array<i32: 1>} : vector<1x1024xi32>
    %jit3A = arith.constant 64 : i32
    %eq3A_183 = arith.constant 0 : i32
    %eq3A_184 = arith.cmpi eq, %jit3A, %eq3A_183 : i32
    %jit3A_185 = arith.constant 1 : i32
    %select_n3A = arith.select %eq3A_184, %jit3A_185, %jit3A : i32
    %rem3A = vector.broadcast %select_n3A : i32 to vector<1x1024xi32>
    %rem3A_186 = arith.remsi %iota3A_182, %rem3A : vector<1x1024xi32>
    %ne3A = arith.constant 0 : i32
    %ne3A_187 = vector.broadcast %ne3A : i32 to vector<1x1024xi32>
    %ne3A_188 = arith.cmpi ne, %rem3A_186, %ne3A_187 : vector<1x1024xi32>
    %lt3A = arith.constant 0 : i32
    %lt3A_189 = vector.broadcast %lt3A : i32 to vector<1x1024xi32>
    %lt3A_190 = arith.cmpi slt, %rem3A_186, %lt3A_189 : vector<1x1024xi32>
    %lt3A_191 = arith.constant 0 : i32
    %lt3A_192 = arith.cmpi slt, %select_n3A, %lt3A_191 : i32
    %ne3A_193 = vector.broadcast %lt3A_192 : i1 to vector<1x1024xi1>
    %ne3A_194 = vector.broadcast %ne3A_193 : vector<1x1024xi1> to vector<1x1024xi1>
    %ne3A_195 = arith.xori %lt3A_190, %ne3A_194 : vector<1x1024xi1>
    %and3A = arith.andi %ne3A_195, %ne3A_188 : vector<1x1024xi1>
    %add3A_196 = vector.broadcast %select_n3A : i32 to vector<1x1024xi32>
    %add3A_197 = arith.addi %rem3A_186, %add3A_196 : vector<1x1024xi32>
    %select_n3A_198 = arith.select %and3A, %add3A_197, %rem3A_186 : vector<1x1024xi1>, vector<1x1024xi32>
    %lt3A_199 = arith.constant 32 : i32
    %lt3A_200 = vector.broadcast %lt3A_199 : i32 to vector<1x1024xi32>
    %lt3A_201 = arith.cmpi slt, %select_n3A_198, %lt3A_200 : vector<1x1024xi32>
    %neg3A_202 = arith.constant 0.000000e+00 : f32
    %neg3A_203 = vector.broadcast %neg3A_202 : f32 to vector<256x1024xf32>
    %neg3A_204 = arith.subf %neg3A_203, %roll3A_181 : vector<256x1024xf32>
    %broadcast_in_dim3A_205 = vector.shape_cast %lt3A_201 : vector<1x1024xi1> to vector<1x1024xi1>
    %broadcast_in_dim3A_206 = vector.broadcast %broadcast_in_dim3A_205 : vector<1x1024xi1> to vector<256x1024xi1>
    %select_n3A_207 = arith.select %broadcast_in_dim3A_206, %neg3A_204, %roll3A_179 : vector<256x1024xi1>, vector<256x1024xf32>
    %mul3A_208 = arith.mulf %slice3A_166, %concatenate3A_175 : vector<256x1024xf32>
    %mul3A_209 = arith.mulf %select_n3A_207, %concatenate3A_176 : vector<256x1024xf32>
    %add3A_210 = arith.addf %mul3A_208, %mul3A_209 : vector<256x1024xf32>
    %convert_element_type3A_211 = arith.truncf %add3A_210 : vector<256x1024xf32> to vector<256x1024xbf16>
    %swap3A_212 = arith.constant 0 : index
    %swap3A_213 = arith.constant 0 : index
    %swap3A_214 = vector.load %arg15[%swap3A_212, %swap3A_213] : memref<256x1024xbf16, #tpu.memory_space<vmem>>, vector<256x1024xbf16>
    tpu.vector_store %arg15[%swap3A_212, %swap3A_213], %convert_element_type3A_211 {strides = array<i32>} : memref<256x1024xbf16, #tpu.memory_space<vmem>>, vector<256x1024xbf16>,
    %roll3A_215 = arith.constant 32 : i32
    %roll3A_216 = tpu.dynamic_rotate %slice3A_167 by %roll3A_215 dim 1 : vector<256x256xf32>, i32 -> vector<256x256xf32>
    %roll3A_217 = arith.constant 224 : i32
    %roll3A_218 = tpu.dynamic_rotate %slice3A_167 by %roll3A_217 dim 1 : vector<256x256xf32>, i32 -> vector<256x256xf32>
    %iota3A_219 = tpu.iota {dimensions = array<i32: 1>} : vector<1x256xi32>
    %jit3A_220 = arith.constant 64 : i32
    %eq3A_221 = arith.constant 0 : i32
    %eq3A_222 = arith.cmpi eq, %jit3A_220, %eq3A_221 : i32
    %jit3A_223 = arith.constant 1 : i32
    %select_n3A_224 = arith.select %eq3A_222, %jit3A_223, %jit3A_220 : i32
    %rem3A_225 = vector.broadcast %select_n3A_224 : i32 to vector<1x256xi32>
    %rem3A_226 = arith.remsi %iota3A_219, %rem3A_225 : vector<1x256xi32>
    %ne3A_227 = arith.constant 0 : i32
    %ne3A_228 = vector.broadcast %ne3A_227 : i32 to vector<1x256xi32>
    %ne3A_229 = arith.cmpi ne, %rem3A_226, %ne3A_228 : vector<1x256xi32>
    %lt3A_230 = arith.constant 0 : i32
    %lt3A_231 = vector.broadcast %lt3A_230 : i32 to vector<1x256xi32>
    %lt3A_232 = arith.cmpi slt, %rem3A_226, %lt3A_231 : vector<1x256xi32>
    %lt3A_233 = arith.constant 0 : i32
    %lt3A_234 = arith.cmpi slt, %select_n3A_224, %lt3A_233 : i32
    %ne3A_235 = vector.broadcast %lt3A_234 : i1 to vector<1x256xi1>
    %ne3A_236 = vector.broadcast %ne3A_235 : vector<1x256xi1> to vector<1x256xi1>
    %ne3A_237 = arith.xori %lt3A_232, %ne3A_236 : vector<1x256xi1>
    %and3A_238 = arith.andi %ne3A_237, %ne3A_229 : vector<1x256xi1>
    %add3A_239 = vector.broadcast %select_n3A_224 : i32 to vector<1x256xi32>
    %add3A_240 = arith.addi %rem3A_226, %add3A_239 : vector<1x256xi32>
    %select_n3A_241 = arith.select %and3A_238, %add3A_240, %rem3A_226 : vector<1x256xi1>, vector<1x256xi32>
    %lt3A_242 = arith.constant 32 : i32
    %lt3A_243 = vector.broadcast %lt3A_242 : i32 to vector<1x256xi32>
    %lt3A_244 = arith.cmpi slt, %select_n3A_241, %lt3A_243 : vector<1x256xi32>
    %neg3A_245 = arith.constant 0.000000e+00 : f32
    %neg3A_246 = vector.broadcast %neg3A_245 : f32 to vector<256x256xf32>
    %neg3A_247 = arith.subf %neg3A_246, %roll3A_218 : vector<256x256xf32>
    %broadcast_in_dim3A_248 = vector.shape_cast %lt3A_244 : vector<1x256xi1> to vector<1x256xi1>
    %broadcast_in_dim3A_249 = vector.broadcast %broadcast_in_dim3A_248 : vector<1x256xi1> to vector<256x256xi1>
    %select_n3A_250 = arith.select %broadcast_in_dim3A_249, %neg3A_247, %roll3A_216 : vector<256x256xi1>, vector<256x256xf32>
    %mul3A_251 = arith.mulf %slice3A_167, %concatenate3A_177 : vector<256x256xf32>
    %mul3A_252 = arith.mulf %select_n3A_250, %concatenate3A_178 : vector<256x256xf32>
    %add3A_253 = arith.addf %mul3A_251, %mul3A_252 : vector<256x256xf32>
    %convert_element_type3A_254 = arith.truncf %add3A_253 : vector<256x256xf32> to vector<256x256xbf16>
    %swap3A_255 = arith.constant 0 : index
    %swap3A_256 = arith.constant 0 : index
    %swap3A_257 = vector.load %arg16[%swap3A_255, %swap3A_256] : memref<256x256xbf16, #tpu.memory_space<vmem>>, vector<256x256xbf16>
    tpu.vector_store %arg16[%swap3A_255, %swap3A_256], %convert_element_type3A_254 {strides = array<i32>} : memref<256x256xbf16, #tpu.memory_space<vmem>>, vector<256x256xbf16>,
    %convert_element_type3A_258 = arith.truncf %slice3A_168 : vector<256x256xf32> to vector<256x256xbf16>
    %swap3A_259 = arith.constant 0 : index
    %swap3A_260 = arith.constant 0 : index
    %swap3A_261 = vector.load %arg17[%swap3A_259, %swap3A_260] : memref<256x256xbf16, #tpu.memory_space<vmem>>, vector<256x256xbf16>
    tpu.vector_store %arg17[%swap3A_259, %swap3A_260], %convert_element_type3A_258 {strides = array<i32>} : memref<256x256xbf16, #tpu.memory_space<vmem>>, vector<256x256xbf16>,
    return
  }
  func.func @transform_0(%arg0: i32) -> (i32, i32) {
    %c0_i32 = arith.constant 0 : i32
    %c0_i32_0 = arith.constant 0 : i32
    return %arg0, %c0_i32 : i32, i32
  }
  func.func @transform_1(%arg0: i32) -> (i32, i32) {
    %c0_i32 = arith.constant 0 : i32
    %c0_i32_0 = arith.constant 0 : i32
    %c0_i32_1 = arith.constant 0 : i32
    return %c0_i32, %c0_i32_0 : i32, i32
  }
  func.func @transform_2(%arg0: i32) -> (i32, i32) {
    %c0_i32 = arith.constant 0 : i32
    %c0_i32_0 = arith.constant 0 : i32
    %c0_i32_1 = arith.constant 0 : i32
    return %c0_i32, %c0_i32_0 : i32, i32
  }
  func.func @transform_3(%arg0: i32) -> (i32, i32) {
    %c0_i32 = arith.constant 0 : i32
    %c0_i32_0 = arith.constant 0 : i32
    %c0_i32_1 = arith.constant 0 : i32
    return %c0_i32, %c0_i32_0 : i32, i32
  }
  func.func @transform_4(%arg0: i32) -> (i32, i32) {
    %c0_i32 = arith.constant 0 : i32
    %c0_i32_0 = arith.constant 0 : i32
    %c0_i32_1 = arith.constant 0 : i32
    return %c0_i32, %c0_i32_0 : i32, i32
  }
  func.func @transform_5(%arg0: i32) -> (i32, i32) {
    %c0_i32 = arith.constant 0 : i32
    %c0_i32_0 = arith.constant 0 : i32
    %c0_i32_1 = arith.constant 0 : i32
    return %c0_i32, %c0_i32_0 : i32, i32
  }
  func.func @transform_6(%arg0: i32) -> (i32, i32) {
    %c0_i32 = arith.constant 0 : i32
    %c0_i32_0 = arith.constant 0 : i32
    %c0_i32_1 = arith.constant 0 : i32
    return %c0_i32, %c0_i32_0 : i32, i32
  }
  func.func @transform_7(%arg0: i32) -> (i32, i32) {
    %c0_i32 = arith.constant 0 : i32
    %c0_i32_0 = arith.constant 0 : i32
    return %arg0, %c0_i32 : i32, i32
  }
  func.func @transform_8(%arg0: i32) -> (i32, i32) {
    %c0_i32 = arith.constant 0 : i32
    %c0_i32_0 = arith.constant 0 : i32
    return %arg0, %c0_i32 : i32, i32
  }
  func.func @transform_9(%arg0: i32) -> (i32, i32) {
    %c0_i32 = arith.constant 0 : i32
    %c0_i32_0 = arith.constant 0 : i32
    %c0_i32_1 = arith.constant 0 : i32
    return %c0_i32, %c0_i32_0 : i32, i32
  }
  func.func @transform_10(%arg0: i32) -> (i32, i32) {
    %c0_i32 = arith.constant 0 : i32
    %c0_i32_0 = arith.constant 0 : i32
    %c0_i32_1 = arith.constant 0 : i32
    return %c0_i32, %c0_i32_0 : i32, i32
  }
  func.func @transform_11(%arg0: i32) -> (i32, i32) {
    %c0_i32 = arith.constant 0 : i32
    %c0_i32_0 = arith.constant 0 : i32
    %c0_i32_1 = arith.constant 0 : i32
    return %c0_i32, %c0_i32_0 : i32, i32
  }
  func.func @transform_12(%arg0: i32) -> (i32, i32) {
    %c0_i32 = arith.constant 0 : i32
    %c0_i32_0 = arith.constant 0 : i32
    %c0_i32_1 = arith.constant 0 : i32
    return %c0_i32, %c0_i32_0 : i32, i32
  }
  func.func @transform_13(%arg0: i32) -> (i32, i32) {
    %c0_i32 = arith.constant 0 : i32
    %c0_i32_0 = arith.constant 0 : i32
    %c0_i32_1 = arith.constant 0 : i32
    return %c0_i32, %c0_i32_0 : i32, i32
  }
  func.func @transform_14(%arg0: i32) -> (i32, i32) {
    %c0_i32 = arith.constant 0 : i32
    %c0_i32_0 = arith.constant 0 : i32
    return %arg0, %c0_i32 : i32, i32
  }
  func.func @transform_15(%arg0: i32) -> (i32, i32) {
    %c0_i32 = arith.constant 0 : i32
    %c0_i32_0 = arith.constant 0 : i32
    return %arg0, %c0_i32 : i32, i32
  }
  func.func @transform_16(%arg0: i32) -> (i32, i32) {
    %c0_i32 = arith.constant 0 : i32
    %c0_i32_0 = arith.constant 0 : i32
    return %arg0, %c0_i32 : i32, i32
  }
  func.func @transform_17(%arg0: i32) -> (i32, i32) {
    %c0_i32 = arith.constant 0 : i32
    %c0_i32_0 = arith.constant 0 : i32
    return %arg0, %c0_i32 : i32, i32
  }
  func.func @transform_18(%arg0: i32) -> (i32, i32) {
    %c0_i32 = arith.constant 0 : i32
    %c0_i32_0 = arith.constant 0 : i32
    return %arg0, %c0_i32 : i32, i32
  }
  func.func @transform_19(%arg0: i32) -> (i32, i32) {
    %c0_i32 = arith.constant 0 : i32
    %c0_i32_0 = arith.constant 0 : i32
    return %arg0, %c0_i32 : i32, i32
  }
  func.func @transform_20(%arg0: i32) -> (i32, i32) {
    %c0_i32 = arith.constant 0 : i32
    %c0_i32_0 = arith.constant 0 : i32
    %c0_i32_1 = arith.constant 0 : i32
    return %c0_i32, %c0_i32_0 : i32, i32
  }
}

module attributes {stable_mosaic.version = 14 : i64} {
  func.func @_flash_body(%arg0: i32, %arg1: i32, %arg2: memref<4x256x64xbf16, #tpu.memory_space<vmem>>, %arg3: memref<1x2048x64xbf16, #tpu.memory_space<vmem>>, %arg4: memref<1x2048x64xbf16, #tpu.memory_space<vmem>>, %arg5: memref<1x256x1xi32, #tpu.memory_space<vmem>>, %arg6: memref<4x256x64xbf16, #tpu.memory_space<vmem>>) attributes {dimension_semantics = [#tpu.dimension_semantics<arbitrary>, #tpu.dimension_semantics<arbitrary>], iteration_bounds = array<i64: 4, 8>, scalar_prefetch = 0 : i64, scratch_operands = 0 : i64, tpu.core_type = #tpu.core_type<tc>, window_params = [{transform_indices = @transform_0, window_bounds = array<i64: 4, 256, 64>}, {transform_indices = @transform_1, window_bounds = array<i64: 1, 2048, 64>}, {transform_indices = @transform_2, window_bounds = array<i64: 1, 2048, 64>}, {transform_indices = @transform_3, window_bounds = array<i64: 1, 256, 1>}, {transform_indices = @transform_4, window_bounds = array<i64: 4, 256, 64>}]} {
    %get3A = arith.constant 0 : index
    %get3A_0 = arith.constant 0 : index
    %get3A_1 = arith.constant 0 : index
    %get3A_2 = vector.load %arg2[%get3A, %get3A_0, %get3A_1] : memref<4x256x64xbf16, #tpu.memory_space<vmem>>, vector<4x256x64xbf16>
    %reshape3A = vector.shape_cast %get3A_2 : vector<4x256x64xbf16> to vector<1024x64xbf16>
    %get3A_3 = arith.constant 0 : index
    %get3A_4 = arith.constant 0 : index
    %get3A_5 = arith.constant 0 : index
    %get3A_6 = vector.load %arg5[%get3A_3, %get3A_4, %get3A_5] : memref<1x256x1xi32, #tpu.memory_space<vmem>>, vector<1x256x1xi32>
    %get3A_7 = vector.shape_cast %get3A_6 : vector<1x256x1xi32> to vector<256x1xi32>
    %concatenate3A = tpu.concatenate %get3A_7, %get3A_7, %get3A_7, %get3A_7 in 0 : vector<256x1xi32>, vector<256x1xi32>, vector<256x1xi32>, vector<256x1xi32> -> vector<1024x1xi32>
    %reduce_max3A = vector.shape_cast %get3A_7 : vector<256x1xi32> to vector<1x256x1xi32>
    %reduce_max3A_8 = arith.constant dense<-2147483648> : vector<1xi32>
    %reduce_max3A_9 = vector.multi_reduction <maxsi>, %reduce_max3A, %reduce_max3A_8 [1, 2] : vector<1x256x1xi32> to vector<1xi32>
    %reduce_max3A_10 = vector.shape_cast %reduce_max3A_9 : vector<1xi32> to vector<1x1x1xi32>
    %reduce_max3A_11 = vector.extract %reduce_max3A_10[0, 0, 0] : i32 from vector<1x1x1xi32>
    %add3A = arith.constant 256 : i32
    %add3A_12 = arith.addi %reduce_max3A_11, %add3A : i32
    %jit3A = arith.constant 256 : i32
    %div3A = arith.divsi %add3A_12, %jit3A : i32
    %sign3A = arith.constant 0 : i32
    %sign3A_13 = arith.cmpi sgt, %add3A_12, %sign3A : i32
    %sign3A_14 = arith.extui %sign3A_13 : i1 to i32
    %sign3A_15 = arith.constant 0 : i32
    %sign3A_16 = arith.cmpi slt, %add3A_12, %sign3A_15 : i32
    %sign3A_17 = arith.extui %sign3A_16 : i1 to i32
    %sign3A_18 = arith.subi %sign3A_14, %sign3A_17 : i32
    %sign3A_19 = arith.constant 0 : i32
    %sign3A_20 = arith.cmpi sgt, %jit3A, %sign3A_19 : i32
    %sign3A_21 = arith.extui %sign3A_20 : i1 to i32
    %sign3A_22 = arith.constant 0 : i32
    %sign3A_23 = arith.cmpi slt, %jit3A, %sign3A_22 : i32
    %sign3A_24 = arith.extui %sign3A_23 : i1 to i32
    %sign3A_25 = arith.subi %sign3A_21, %sign3A_24 : i32
    %ne3A = arith.cmpi ne, %sign3A_18, %sign3A_25 : i32
    %rem3A = arith.remsi %add3A_12, %jit3A : i32
    %ne3A_26 = arith.constant 0 : i32
    %ne3A_27 = arith.cmpi ne, %rem3A, %ne3A_26 : i32
    %and3A = arith.andi %ne3A, %ne3A_27 : i1
    %sub3A = arith.constant 1 : i32
    %sub3A_28 = arith.subi %div3A, %sub3A : i32
    %select_n3A = arith.select %and3A, %sub3A_28, %div3A : i32
    %broadcast_in_dim3A = arith.constant -1.000000e+30 : f32
    %broadcast_in_dim3A_29 = vector.broadcast %broadcast_in_dim3A : f32 to vector<1024x1xf32>
    %broadcast_in_dim3A_30 = arith.constant 0.000000e+00 : f32
    %broadcast_in_dim3A_31 = vector.broadcast %broadcast_in_dim3A_30 : f32 to vector<1024x1xf32>
    %broadcast_in_dim3A_32 = arith.constant 0.000000e+00 : f32
    %broadcast_in_dim3A_33 = vector.broadcast %broadcast_in_dim3A_32 : f32 to vector<1024x64xf32>
    %while3A = arith.constant 0 : i32
    %while3A_34 = arith.subi %select_n3A, %while3A : i32
    %while3A_35 = arith.addi %while3A, %while3A_34 : i32
    %while3A_36 = arith.constant 1 : i32
    %while3A_37 = arith.divsi %while3A_34, %while3A_36 : i32
    %while3A_38 = arith.muli %while3A_37, %while3A_36 : i32
    %while3A_39 = arith.addi %while3A, %while3A_38 : i32
    %while3A_40 = arith.constant 1 : i32
    %while3A_41:3 = scf.for %while3A_50 = %while3A to %while3A_39 step %while3A_40 iter_args(%while3A_51 = %broadcast_in_dim3A_29, %while3A_52 = %broadcast_in_dim3A_31, %while3A_53 = %broadcast_in_dim3A_33) -> (vector<1024x1xf32>, vector<1024x1xf32>, vector<1024x64xf32>)  : i32 {
      %mul3A = arith.constant 256 : i32
      %mul3A_54 = arith.muli %while3A_50, %mul3A : i32
      %get3A_55 = arith.constant 0 : index
      %get3A_56 = arith.index_cast %mul3A_54 : i32 to index
      %get3A_57 = arith.constant 0 : index
      %get3A_58 = vector.load %arg3[%get3A_55, %get3A_56, %get3A_57] : memref<1x2048x64xbf16, #tpu.memory_space<vmem>>, vector<1x256x64xbf16>
      %get3A_59 = vector.shape_cast %get3A_58 : vector<1x256x64xbf16> to vector<256x64xbf16>
      %mul3A_60 = arith.constant 256 : i32
      %mul3A_61 = arith.muli %while3A_50, %mul3A_60 : i32
      %get3A_62 = arith.constant 0 : index
      %get3A_63 = arith.index_cast %mul3A_61 : i32 to index
      %get3A_64 = arith.constant 0 : index
      %get3A_65 = vector.load %arg4[%get3A_62, %get3A_63, %get3A_64] : memref<1x2048x64xbf16, #tpu.memory_space<vmem>>, vector<1x256x64xbf16>
      %get3A_66 = vector.shape_cast %get3A_65 : vector<1x256x64xbf16> to vector<256x64xbf16>
      %dot_general3A = arith.constant dense<0.000000e+00> : vector<1024x256xf32>
      %dot_general3A_67 = tpu.matmul %reshape3A, %get3A_59, %dot_general3A {dimension_numbers = #tpu.dot_dimension_numbers<[1], [1], [0], [0], [0, 0, 1, 0], [], []>, transpose_lhs_hint = false} : vector<1024x64xbf16>, vector<256x64xbf16>, vector<1024x256xf32> -> vector<1024x256xf32>
      %mul3A_68 = arith.constant 256 : i32
      %mul3A_69 = arith.muli %while3A_50, %mul3A_68 : i32
      %iota3A = tpu.iota {dimensions = array<i32: 1>} : vector<1024x256xi32>
      %add3A_70 = vector.broadcast %mul3A_69 : i32 to vector<1024x256xi32>
      %add3A_71 = arith.addi %add3A_70, %iota3A : vector<1024x256xi32>
      %ge3A = vector.broadcast %concatenate3A : vector<1024x1xi32> to vector<1024x256xi32>
      %ge3A_72 = arith.cmpi sge, %ge3A, %add3A_71 : vector<1024x256xi32>
      %jit3A_73 = arith.constant -1.000000e+30 : f32
      %broadcast_in_dim3A_74 = vector.broadcast %jit3A_73 : f32 to vector<1024x256xf32>
      %select_n3A_75 = arith.select %ge3A_72, %dot_general3A_67, %broadcast_in_dim3A_74 : vector<1024x256xi1>, vector<1024x256xf32>
      %reduce_max3A_76 = arith.constant dense<0xFF800000> : vector<1024xf32>
      %reduce_max3A_77 = vector.multi_reduction <maximumf>, %select_n3A_75, %reduce_max3A_76 [1] : vector<1024x256xf32> to vector<1024xf32>
      %broadcast_in_dim3A_78 = vector.shape_cast %reduce_max3A_77 : vector<1024xf32> to vector<1024x1xf32>
      %max3A = arith.maximumf %while3A_51, %broadcast_in_dim3A_78 : vector<1024x1xf32>
      %sub3A_79 = vector.broadcast %max3A : vector<1024x1xf32> to vector<1024x256xf32>
      %sub3A_80 = arith.subf %select_n3A_75, %sub3A_79 : vector<1024x256xf32>
      %exp3A = math.exp %sub3A_80 : vector<1024x256xf32>
      %sub3A_81 = arith.subf %while3A_51, %max3A : vector<1024x1xf32>
      %exp3A_82 = math.exp %sub3A_81 : vector<1024x1xf32>
      %mul3A_83 = arith.mulf %while3A_52, %exp3A_82 : vector<1024x1xf32>
      %reduce_sum3A = arith.constant dense<0.000000e+00> : vector<1024xf32>
      %reduce_sum3A_84 = vector.multi_reduction <add>, %exp3A, %reduce_sum3A [1] : vector<1024x256xf32> to vector<1024xf32>
      %broadcast_in_dim3A_85 = vector.shape_cast %reduce_sum3A_84 : vector<1024xf32> to vector<1024x1xf32>
      %add3A_86 = arith.addf %mul3A_83, %broadcast_in_dim3A_85 : vector<1024x1xf32>
      %mul3A_87 = vector.broadcast %exp3A_82 : vector<1024x1xf32> to vector<1024x64xf32>
      %mul3A_88 = arith.mulf %while3A_53, %mul3A_87 : vector<1024x64xf32>
      %convert_element_type3A_89 = arith.truncf %exp3A : vector<1024x256xf32> to vector<1024x256xbf16>
      %dot_general3A_90 = arith.constant dense<0.000000e+00> : vector<1024x64xf32>
      %dot_general3A_91 = tpu.matmul %convert_element_type3A_89, %get3A_66, %dot_general3A_90 {dimension_numbers = #tpu.dot_dimension_numbers<[1], [0], [0], [1], [0, 0, 1, 1], [], []>, transpose_lhs_hint = false} : vector<1024x256xbf16>, vector<256x64xbf16>, vector<1024x64xf32> -> vector<1024x64xf32>
      %add3A_92 = arith.addf %mul3A_88, %dot_general3A_91 : vector<1024x64xf32>
      scf.yield %max3A, %add3A_86, %add3A_92 : vector<1024x1xf32>, vector<1024x1xf32>, vector<1024x64xf32>
    }
    %while3A_42 = arith.constant 1 : i32
    %while3A_43:3 = scf.for %while3A_50 = %while3A_39 to %while3A_35 step %while3A_42 iter_args(%while3A_51 = %while3A_41#0, %while3A_52 = %while3A_41#1, %while3A_53 = %while3A_41#2) -> (vector<1024x1xf32>, vector<1024x1xf32>, vector<1024x64xf32>)  : i32 {
      %mul3A = arith.constant 256 : i32
      %mul3A_54 = arith.muli %while3A_50, %mul3A : i32
      %get3A_55 = arith.constant 0 : index
      %get3A_56 = arith.index_cast %mul3A_54 : i32 to index
      %get3A_57 = arith.constant 0 : index
      %get3A_58 = vector.load %arg3[%get3A_55, %get3A_56, %get3A_57] : memref<1x2048x64xbf16, #tpu.memory_space<vmem>>, vector<1x256x64xbf16>
      %get3A_59 = vector.shape_cast %get3A_58 : vector<1x256x64xbf16> to vector<256x64xbf16>
      %mul3A_60 = arith.constant 256 : i32
      %mul3A_61 = arith.muli %while3A_50, %mul3A_60 : i32
      %get3A_62 = arith.constant 0 : index
      %get3A_63 = arith.index_cast %mul3A_61 : i32 to index
      %get3A_64 = arith.constant 0 : index
      %get3A_65 = vector.load %arg4[%get3A_62, %get3A_63, %get3A_64] : memref<1x2048x64xbf16, #tpu.memory_space<vmem>>, vector<1x256x64xbf16>
      %get3A_66 = vector.shape_cast %get3A_65 : vector<1x256x64xbf16> to vector<256x64xbf16>
      %dot_general3A = arith.constant dense<0.000000e+00> : vector<1024x256xf32>
      %dot_general3A_67 = tpu.matmul %reshape3A, %get3A_59, %dot_general3A {dimension_numbers = #tpu.dot_dimension_numbers<[1], [1], [0], [0], [0, 0, 1, 0], [], []>, transpose_lhs_hint = false} : vector<1024x64xbf16>, vector<256x64xbf16>, vector<1024x256xf32> -> vector<1024x256xf32>
      %mul3A_68 = arith.constant 256 : i32
      %mul3A_69 = arith.muli %while3A_50, %mul3A_68 : i32
      %iota3A = tpu.iota {dimensions = array<i32: 1>} : vector<1024x256xi32>
      %add3A_70 = vector.broadcast %mul3A_69 : i32 to vector<1024x256xi32>
      %add3A_71 = arith.addi %add3A_70, %iota3A : vector<1024x256xi32>
      %ge3A = vector.broadcast %concatenate3A : vector<1024x1xi32> to vector<1024x256xi32>
      %ge3A_72 = arith.cmpi sge, %ge3A, %add3A_71 : vector<1024x256xi32>
      %jit3A_73 = arith.constant -1.000000e+30 : f32
      %broadcast_in_dim3A_74 = vector.broadcast %jit3A_73 : f32 to vector<1024x256xf32>
      %select_n3A_75 = arith.select %ge3A_72, %dot_general3A_67, %broadcast_in_dim3A_74 : vector<1024x256xi1>, vector<1024x256xf32>
      %reduce_max3A_76 = arith.constant dense<0xFF800000> : vector<1024xf32>
      %reduce_max3A_77 = vector.multi_reduction <maximumf>, %select_n3A_75, %reduce_max3A_76 [1] : vector<1024x256xf32> to vector<1024xf32>
      %broadcast_in_dim3A_78 = vector.shape_cast %reduce_max3A_77 : vector<1024xf32> to vector<1024x1xf32>
      %max3A = arith.maximumf %while3A_51, %broadcast_in_dim3A_78 : vector<1024x1xf32>
      %sub3A_79 = vector.broadcast %max3A : vector<1024x1xf32> to vector<1024x256xf32>
      %sub3A_80 = arith.subf %select_n3A_75, %sub3A_79 : vector<1024x256xf32>
      %exp3A = math.exp %sub3A_80 : vector<1024x256xf32>
      %sub3A_81 = arith.subf %while3A_51, %max3A : vector<1024x1xf32>
      %exp3A_82 = math.exp %sub3A_81 : vector<1024x1xf32>
      %mul3A_83 = arith.mulf %while3A_52, %exp3A_82 : vector<1024x1xf32>
      %reduce_sum3A = arith.constant dense<0.000000e+00> : vector<1024xf32>
      %reduce_sum3A_84 = vector.multi_reduction <add>, %exp3A, %reduce_sum3A [1] : vector<1024x256xf32> to vector<1024xf32>
      %broadcast_in_dim3A_85 = vector.shape_cast %reduce_sum3A_84 : vector<1024xf32> to vector<1024x1xf32>
      %add3A_86 = arith.addf %mul3A_83, %broadcast_in_dim3A_85 : vector<1024x1xf32>
      %mul3A_87 = vector.broadcast %exp3A_82 : vector<1024x1xf32> to vector<1024x64xf32>
      %mul3A_88 = arith.mulf %while3A_53, %mul3A_87 : vector<1024x64xf32>
      %convert_element_type3A_89 = arith.truncf %exp3A : vector<1024x256xf32> to vector<1024x256xbf16>
      %dot_general3A_90 = arith.constant dense<0.000000e+00> : vector<1024x64xf32>
      %dot_general3A_91 = tpu.matmul %convert_element_type3A_89, %get3A_66, %dot_general3A_90 {dimension_numbers = #tpu.dot_dimension_numbers<[1], [0], [0], [1], [0, 0, 1, 1], [], []>, transpose_lhs_hint = false} : vector<1024x256xbf16>, vector<256x64xbf16>, vector<1024x64xf32> -> vector<1024x64xf32>
      %add3A_92 = arith.addf %mul3A_88, %dot_general3A_91 : vector<1024x64xf32>
      scf.yield %max3A, %add3A_86, %add3A_92 : vector<1024x1xf32>, vector<1024x1xf32>, vector<1024x64xf32>
    }
    %div3A_44 = vector.broadcast %while3A_43#1 : vector<1024x1xf32> to vector<1024x64xf32>
    %div3A_45 = arith.divf %while3A_43#2, %div3A_44 : vector<1024x64xf32>
    %convert_element_type3A = arith.truncf %div3A_45 : vector<1024x64xf32> to vector<1024x64xbf16>
    %reshape3A_46 = vector.shape_cast %convert_element_type3A : vector<1024x64xbf16> to vector<4x256x64xbf16>
    %swap3A = arith.constant 0 : index
    %swap3A_47 = arith.constant 0 : index
    %swap3A_48 = arith.constant 0 : index
    %swap3A_49 = vector.load %arg6[%swap3A, %swap3A_47, %swap3A_48] : memref<4x256x64xbf16, #tpu.memory_space<vmem>>, vector<4x256x64xbf16>
    tpu.vector_store %arg6[%swap3A, %swap3A_47, %swap3A_48], %reshape3A_46 {strides = array<i32>} : memref<4x256x64xbf16, #tpu.memory_space<vmem>>, vector<4x256x64xbf16>,
    return
  }
  func.func @transform_0(%arg0: i32, %arg1: i32) -> (i32, i32, i32) {
    %c0_i32 = arith.constant 0 : i32
    %c0_i32_0 = arith.constant 0 : i32
    return %arg0, %arg1, %c0_i32 : i32, i32, i32
  }
  func.func @transform_1(%arg0: i32, %arg1: i32) -> (i32, i32, i32) {
    %c0_i32 = arith.constant 0 : i32
    %c0_i32_0 = arith.constant 0 : i32
    %c0_i32_1 = arith.constant 0 : i32
    return %arg0, %c0_i32, %c0_i32_0 : i32, i32, i32
  }
  func.func @transform_2(%arg0: i32, %arg1: i32) -> (i32, i32, i32) {
    %c0_i32 = arith.constant 0 : i32
    %c0_i32_0 = arith.constant 0 : i32
    %c0_i32_1 = arith.constant 0 : i32
    return %arg0, %c0_i32, %c0_i32_0 : i32, i32, i32
  }
  func.func @transform_3(%arg0: i32, %arg1: i32) -> (i32, i32, i32) {
    %c0_i32 = arith.constant 0 : i32
    %c0_i32_0 = arith.constant 0 : i32
    %c0_i32_1 = arith.constant 0 : i32
    return %arg1, %c0_i32, %c0_i32_0 : i32, i32, i32
  }
  func.func @transform_4(%arg0: i32, %arg1: i32) -> (i32, i32, i32) {
    %c0_i32 = arith.constant 0 : i32
    %c0_i32_0 = arith.constant 0 : i32
    return %arg0, %arg1, %c0_i32 : i32, i32, i32
  }
}

module attributes {stable_mosaic.version = 14 : i64} {
  func.func @_epilogue_body(%arg0: i32, %arg1: memref<256x1024xf32, #tpu.memory_space<vmem>>, %arg2: memref<256x1024xf32, #tpu.memory_space<vmem>>, %arg3: memref<256x1xf32, #tpu.memory_space<vmem>>, %arg4: memref<256x1024xbf16, #tpu.memory_space<vmem>>, %arg5: memref<1024x1024xbf16, #tpu.memory_space<vmem>>, %arg6: memref<256x1024xf32, #tpu.memory_space<vmem>>) attributes {dimension_semantics = [#tpu.dimension_semantics<arbitrary>], iteration_bounds = array<i64: 8>, scalar_prefetch = 0 : i64, scratch_operands = 0 : i64, tpu.core_type = #tpu.core_type<tc>, window_params = [{transform_indices = @transform_0, window_bounds = array<i64: 256, 1024>}, {transform_indices = @transform_1, window_bounds = array<i64: 256, 1024>}, {transform_indices = @transform_2, window_bounds = array<i64: 256, 1>}, {transform_indices = @transform_3, window_bounds = array<i64: 256, 1024>}, {pipeline_mode = #tpu.pipeline_mode<synchronous>, transform_indices = @transform_4, window_bounds = array<i64: 1024, 1024>}, {transform_indices = @transform_5, window_bounds = array<i64: 256, 1024>}]} {
    %get3A = arith.constant 0 : index
    %get3A_0 = arith.constant 0 : index
    %get3A_1 = vector.load %arg4[%get3A, %get3A_0] : memref<256x1024xbf16, #tpu.memory_space<vmem>>, vector<256x1024xbf16>
    %get3A_2 = arith.constant 0 : index
    %get3A_3 = arith.constant 0 : index
    %get3A_4 = vector.load %arg5[%get3A_2, %get3A_3] : memref<1024x1024xbf16, #tpu.memory_space<vmem>>, vector<1024x1024xbf16>
    %dot_general3A = arith.constant dense<0.000000e+00> : vector<256x1024xf32>
    %dot_general3A_5 = tpu.matmul %get3A_1, %get3A_4, %dot_general3A {dimension_numbers = #tpu.dot_dimension_numbers<[1], [0], [0], [1], [0, 0, 1, 1], [], []>, transpose_lhs_hint = false} : vector<256x1024xbf16>, vector<1024x1024xbf16>, vector<256x1024xf32> -> vector<256x1024xf32>
    %get3A_6 = arith.constant 0 : index
    %get3A_7 = arith.constant 0 : index
    %get3A_8 = vector.load %arg3[%get3A_6, %get3A_7] : memref<256x1xf32, #tpu.memory_space<vmem>>, vector<256x1xf32>
    %gt3A = arith.constant 5.000000e-01 : f32
    %gt3A_9 = vector.broadcast %gt3A : f32 to vector<256x1xf32>
    %gt3A_10 = arith.cmpf ogt, %get3A_8, %gt3A_9 : vector<256x1xf32>
    %jit3A = arith.constant 0.000000e+00 : f32
    %broadcast_in_dim3A = vector.shape_cast %gt3A_10 : vector<256x1xi1> to vector<256x1xi1>
    %broadcast_in_dim3A_11 = vector.broadcast %broadcast_in_dim3A : vector<256x1xi1> to vector<256x1024xi1>
    %broadcast_in_dim3A_12 = vector.broadcast %jit3A : f32 to vector<256x1024xf32>
    %select_n3A = arith.select %broadcast_in_dim3A_11, %dot_general3A_5, %broadcast_in_dim3A_12 : vector<256x1024xi1>, vector<256x1024xf32>
    %get3A_13 = arith.constant 0 : index
    %get3A_14 = arith.constant 0 : index
    %get3A_15 = vector.load %arg1[%get3A_13, %get3A_14] : memref<256x1024xf32, #tpu.memory_space<vmem>>, vector<256x1024xf32>
    %get3A_16 = arith.constant 0 : index
    %get3A_17 = arith.constant 0 : index
    %get3A_18 = vector.load %arg2[%get3A_16, %get3A_17] : memref<256x1024xf32, #tpu.memory_space<vmem>>, vector<256x1024xf32>
    %add3A = arith.addf %get3A_15, %get3A_18 : vector<256x1024xf32>
    %add3A_19 = arith.addf %add3A, %select_n3A : vector<256x1024xf32>
    %swap3A = arith.constant 0 : index
    %swap3A_20 = arith.constant 0 : index
    %swap3A_21 = vector.load %arg6[%swap3A, %swap3A_20] : memref<256x1024xf32, #tpu.memory_space<vmem>>, vector<256x1024xf32>
    tpu.vector_store %arg6[%swap3A, %swap3A_20], %add3A_19 {strides = array<i32>} : memref<256x1024xf32, #tpu.memory_space<vmem>>, vector<256x1024xf32>,
    return
  }
  func.func @transform_0(%arg0: i32) -> (i32, i32) {
    %c0_i32 = arith.constant 0 : i32
    %c0_i32_0 = arith.constant 0 : i32
    return %arg0, %c0_i32 : i32, i32
  }
  func.func @transform_1(%arg0: i32) -> (i32, i32) {
    %c0_i32 = arith.constant 0 : i32
    %c0_i32_0 = arith.constant 0 : i32
    return %arg0, %c0_i32 : i32, i32
  }
  func.func @transform_2(%arg0: i32) -> (i32, i32) {
    %c0_i32 = arith.constant 0 : i32
    %c0_i32_0 = arith.constant 0 : i32
    return %arg0, %c0_i32 : i32, i32
  }
  func.func @transform_3(%arg0: i32) -> (i32, i32) {
    %c0_i32 = arith.constant 0 : i32
    %c0_i32_0 = arith.constant 0 : i32
    return %arg0, %c0_i32 : i32, i32
  }
  func.func @transform_4(%arg0: i32) -> (i32, i32) {
    %c0_i32 = arith.constant 0 : i32
    %c0_i32_0 = arith.constant 0 : i32
    %c0_i32_1 = arith.constant 0 : i32
    return %c0_i32, %c0_i32_0 : i32, i32
  }
  func.func @transform_5(%arg0: i32) -> (i32, i32) {
    %c0_i32 = arith.constant 0 : i32
    %c0_i32_0 = arith.constant 0 : i32
    return %arg0, %c0_i32 : i32, i32
  }
}

</mosaic_0001>

<sc_bundles>
// kernel: kernel.10.cloned.1.call-start
scs
__scs_entry_jumppad:
0x0: {  	(pc) =	sbr.rel $0x88, $3  }
0x1: {  	(tag) =	ssettag $0x0;
	lr =	simm.s32 $0x1  }
0x2: {  	[smem:$0x3F94] =	sst lr;
	_ =	strace $0xD0000000  }
0x3: {  	_ = 	snop  }
0x4: {  	_ = 	snop  }
0x5: {  	_ = 	snop  }
0x6: {  	_ = 	snop  }
0x7: {  	_ = 	snop  }
__scs_overlays_trampoline_lowered:
0x8: {  	[smem:$0x3FA3] =	sst s0  }
0x9: {  	[smem:$0x3FA4] =	sst s1  }
0xa: {  	[smem:$0x3FA5] =	sst s2  }
0xb: {  	[smem:$0x3FA6] =	sst s3  }
0xc: {  	[smem:$0x3FA7] =	sst s4  }
0xd: {  	[smem:$0x3FA8] =	sst s5  }
0xe: {  	[smem:$0x3FA9] =	sst s6  }
0xf: {  	[smem:$0x3FAA] =	sst s7  }
0x10: {  	[smem:$0x3FAB] =	sst s8  }
0x11: {  	[smem:$0x3FAC] =	sst s9;
	s0 =	simm.s32 @!p0 $0x0  }
0x12: {  	s1 =	sld [smem:$0x3F92];
	s0 =	simm.s32 @p0 $0x1  }
0x13: {  	[smem:$0x3FAD] =	sst s0;
	s0 =	simm.s32 @!p1 $0x0  }
0x14: {  	s2 =	sld [smem:$0x3F91];
	s0 =	simm.s32 @p1 $0x1  }
0x15: {  	[smem:$0x3FAE] =	sst s0;
	s0 =	simm.s32 @!p2 $0x0  }
0x16: {  	s3 =	sld [smem:$0x3FDB];
	s0 =	simm.s32 @p2 $0x1  }
0x17: {  	s4 =	simm.s32 $0x1BF5;
	[smem:$0x3FB0] =	sst s0  }
0x18: {  	s0 =	sld [smem:$0x3F93];
	_ =	swait.ge [sflag:s4], $0x0  }
0x19: {  	s7 =	sld [smem:$0x3F94]  }
0x1a: {  	s8 =	sadd.s32 $0xFFFFE003, lr  }
0x1b: {  	s9 =	sadd.s32 $0xFFFFFEF7, lr;
	s5 =	simm.s32 $0xFFFFFFFF;
	p2 =	slt.u32 s8, $0xFFFFF086  }
0x1c: {  	p1 =	slt.u32 s9, $0xF7A;
	s5 =	simm.s32 @!p2 $0x0  }
0x1d: {  	s5 =	simm.s32 @p1 $0x1;
	p0 =	seq.s32 s7, s2  }
0x1e: {  	s7 =	smul.u32 @!p0 $0xF7A, s2;
	p2 =	seq.s32 @!p0 s5, $0x0  }
0x1f: {  	s9 =	smul.u32 $0xF7A, s1;
	s8 =	simm.s32 @!p0 $0x1BF5;
	p2 =	por !p2, p0  }
0x20: {  	[sflag:s8] =	ssyncset.s32 @!p0 $0xFFFFF086;
	s6 =	sadd.s32 @!p0 s3, s7;
	s7 =	simm.s32 @!p0 $0x108  }
0x21: {  	s3 =	sadd.s32 s3, s9;
	s6 =	sadd.s32 @!p0 $0x88, s6;
	s7 =	simm.s32 @p2 $0x1082  }
0x22: {  	[simem:s7], [sflag:s8] =	dma.local @!p0 [hbm:s6], $0xF7A  }
0x23: {  	s9 =	sor.u32 $0xD0000000, s2;
	s6 =	simm.s32 $0x108;
	_ =	swait.ge @!p0 [sflag:s8], $0x0  }
0x24: {  	s3 =	sadd.s32 $0x88, s3;
	s6 =	simm.s32 @!p1 $0x1082;
	[sflag:s4] =	ssyncset.s32 $0xFFFFF086  }
0x25: {  	[simem:s6], [sflag:s4] =	dma.local [hbm:s3], $0xF7A  }
0x26: {  	[smem:$0x3F94] =	sst s1;
	(tag) =	ssettag s2;
	_ =	strace s9  }
0x27: {  	s1 =	sld [smem:$0x3FA4]  }
0x28: {  	s2 =	sld [smem:$0x3FA5]  }
0x29: {  	s4 =	sld [smem:$0x3FA7]  }
0x2a: {  	p0 =	seq.s32 s5, $0x0;
	s5 =	sld [smem:$0x3FA8]  }
0x2b: {  	s6 =	sld [smem:$0x3FA9]  }
0x2c: {  	s7 =	sld [smem:$0x3FAA]  }
0x2d: {  	s3 =	simm.s32 $0x108;
	s8 =	sld [smem:$0x3FAB]  }
0x2e: {  	s3 =	simm.s32 @!p0 $0x1082;
	s9 =	sld [smem:$0x3FAC]  }
0x2f: {  	lr =	sadd.s32 s0, s3;
	s0 =	sld [smem:$0x3FA3]  }
0x30: {  	s3 =	sld [smem:$0x3FA6]  }
0x31: {  	[smem:$0x3FAF] =	sst s10  }
0x32: {  	s10 =	sld [smem:$0x3FAD];
	_ =	sdelay $0x3  }
0x33: {  	p0 =	seq.s32 s10, $0x1;
	s10 =	sld [smem:$0x3FAF];
	_ =	sdelay $0x3  }
0x34: {  	[smem:$0x3FAF] =	sst s10  }
0x35: {  	s10 =	sld [smem:$0x3FAE];
	_ =	sdelay $0x3  }
0x36: {  	p1 =	seq.s32 s10, $0x1;
	s10 =	sld [smem:$0x3FAF];
	_ =	sdelay $0x3  }
0x37: {  	[smem:$0x3FAF] =	sst s10  }
0x38: {  	s10 =	sld [smem:$0x3FB0]  }
0x39: {  	_ = 	snop;
	(pc) =	sbr.ind lr, $3  }
0x3a: {  	_ = 	snop  }
0x3b: {  	_ = 	snop  }
0x3c: {  	p2 =	seq.s32 s10, $0x1;
	s10 =	sld [smem:$0x3FAF]  }
0x3d: {  	_ =	shalt  }
0x3e: {  	_ =	shalt  }
0x3f: {  	_ =	shalt  }
0x40: {  	_ =	shalt  }
0x41: {  	_ =	shalt  }
0x42: {  	_ =	shalt  }
0x43: {  	_ =	shalt  }
0x44: {  	_ =	shalt  }
0x45: {  	_ =	shalt  }
0x46: {  	_ =	shalt  }
0x47: {  	_ =	shalt  }
0x48: {  	_ =	shalt  }
0x49: {  	_ =	shalt  }
0x4a: {  	_ =	shalt  }
0x4b: {  	_ =	shalt  }
0x4c: {  	_ =	shalt  }
0x4d: {  	_ =	shalt  }
0x4e: {  	_ =	shalt  }
0x4f: {  	_ =	shalt  }
0x50: {  	_ =	shalt  }
0x51: {  	_ =	shalt  }
0x52: {  	_ =	shalt  }
0x53: {  	_ =	shalt  }
0x54: {  	_ =	shalt  }
0x55: {  	_ =	shalt  }
0x56: {  	_ =	shalt  }
0x57: {  	_ =	shalt  }
0x58: {  	_ =	shalt  }
0x59: {  	_ =	shalt  }
0x5a: {  	_ =	shalt  }
0x5b: {  	_ =	shalt  }
0x5c: {  	_ =	shalt  }
0x5d: {  	_ =	shalt  }
0x5e: {  	_ =	shalt  }
0x5f: {  	_ =	shalt  }
0x60: {  	_ =	shalt  }
0x61: {  	_ =	shalt  }
0x62: {  	_ =	shalt  }
0x63: {  	_ =	shalt  }
0x64: {  	_ =	shalt  }
0x65: {  	_ =	shalt  }
0x66: {  	_ =	shalt  }
0x67: {  	_ =	shalt  }
0x68: {  	_ =	shalt  }
0x69: {  	_ =	shalt  }
0x6a: {  	_ =	shalt  }
0x6b: {  	_ =	shalt  }
0x6c: {  	_ =	shalt  }
0x6d: {  	_ =	shalt  }
0x6e: {  	_ =	shalt  }
0x6f: {  	_ =	shalt  }
0x70: {  	_ =	shalt  }
0x71: {  	_ =	shalt  }
0x72: {  	_ =	shalt  }
0x73: {  	_ =	shalt  }
0x74: {  	_ =	shalt  }
0x75: {  	_ =	shalt  }
0x76: {  	_ =	shalt  }
0x77: {  	_ =	shalt  }
0x78: {  	_ =	shalt  }
0x79: {  	_ =	shalt  }
0x7a: {  	_ =	shalt  }
0x7b: {  	_ =	shalt  }
0x7c: {  	_ =	shalt  }
0x7d: {  	_ =	shalt  }
0x7e: {  	_ =	shalt  }
0x7f: {  	_ =	shalt  }
0x80: {  	_ =	shalt  }
0x81: {  	_ =	shalt  }
0x82: {  	_ =	shalt  }
0x83: {  	_ =	shalt  }
0x84: {  	_ =	shalt  }
0x85: {  	_ =	shalt  }
0x86: {  	_ =	shalt  }
0x87: {  	_ =	shalt  }
.Lfunc_end0:
.L_simem_size_0:
called_computation.1_lowered:
.L_overlay_start_0:
0x88: {  	s2 =	sld [smem:$0x3FD9]  }
0x89: {  	s3 =	sld [smem:$0x3FFE];
	_ =	sdelay $0x1  }
0x8a: {  	s1 =	srdreg.scid  }
0x8b: {  	s0 =	sand.u32 $0x1, s1  }
0x8c: {  	s14 =	sshll.u32 s0, $0xA;
	s2 =	sadd.s32 s3, s2  }
0x8d: {  	s2 =	sadd.s32 s2, s14  }
0x8e: {  	[smem:$0x3FBB] =	sst s2  }
0x8f: {  	_ = 	snop  }
0x90: {  	s2 =	sld [smem:$0x3FD0];
	_ =	sdelay $0x2  }
0x91: {  	s15 =	simm.s32 $0xA;
	s4 =	simm.s32 $0x10  }
0x92: {  	[smem:s4], [sflag:s15] =	dma.local [hbm:s2], $0x1  }
0x93: {  	_ =	swait.eq [sflag:s15], $0x1  }
0x94: {  	[sflag:s15] =	ssyncset.done $0x0  }
0x95: {  	[sflag:s15] =	ssyncadd.s32 $0xFFFFFFFF  }
0x96: {  	s16 =	sld [smem:$0x10];
	(tm) =	ssettm $0x1  }
0x97: {  	s17 =	sld [smem:$0x3FFB];
	_ =	sdelay $0x3  }
0x98: {  	_ =	strace s17  }
0x99: {  	s3 =	sld [smem:$0x3FFC];
	_ =	sdelay $0x3  }
0x9a: {  	_ =	strace s3  }
0x9b: {  	s3 =	sld [smem:$0x3FFD];
	_ =	sdelay $0x3  }
0x9c: {  	_ =	strace s3  }
0x9d: {  	_ =	strace $0x8FFFFFFF  }
0x9e: {  	s18 =	sld [smem:$0x3FDB];
	_ =	sdelay $0x1  }
0x9f: {  	s19 =	simm.s32 $_scs_section_size  }
0xa0: {  	s5 =	simm.s32 $_size__tile_overlayer_lowered;
	s6 =	simm.s32 $_tile_overlayer_lowered  }
0xa1: {  	s22 =	simm.s32 $0x1BFF;
	s21 =	sshll.u32 s6, $0x1;
	s3 =	sadd.s32 s19, s18  }
0xa2: {  	s7 =	simm.s32 $0x0;
	s20 =	sshll.u32 s5, $0x1;
	s5 =	sadd.s32 s21, s3  }
0xa3: {  	[timem:s7], [sflag:s22] =	dma.local [hbm:s5], s20  }
0xa4: {  	_ =	swait.ge [sflag:s22], s20  }
0xa5: {  	s4 =	ssub.s32 $0x0, s20;
	[sflag:s22] =	ssyncset.done $0x0  }
0xa6: {  	[sflag:s22] =	ssyncadd.s32 s4;
	_ =	sdelay $0x1  }
0xa7: {  	s23 =	simm.s32 $0x1B8B  }
0xa8: {  	_ =	swait.ge [sflag:s23], $0x1  }
0xa9: {  	[sflag:s23] =	ssyncset.done $0x0  }
0xaa: {  	s25 =	simm.s32 $0x1B8E;
	s24 =	sld [smem:$0x3FFE];
	[sflag:s23] =	ssyncadd.s32 $0xFFFFFFFF  }
0xab: {  	s26 =	simm.s32 $execute0_lowered;
	[smem:$0x3FD2] =	sst s25  }
0xac: {  	s5 =	sshll.u32 s26, $0x1;
	_ =	strace $0x80000049;
	[dreg:$0x1] =	wrdreg $0xFFFFFFFF  }
0xad: {  	s28 =	simm.s32 $_size_execute0_lowered;
	s3 =	sadd.s32 s3, s5;
	[dreg:$0x0] =	wrdreg $0x0  }
0xae: {  	s5 =	sshll.u32 s28, $0x1;
	[dreg:$0x2] =	wrdreg s3  }
0xaf: {  	[dreg:$0x3] =	wrdreg s5  }
0xb0: {  	[dreg:$0x4] =	wrdreg $0xC0  }
0xb1: {  	_ =	task [dreg:s7], $0x5FFFF  }
0xb2: {  	[dreg:$0x1] =	wrdreg $0xFFFFFFFF  }
0xb3: {  	[dreg:$0x0] =	wrdreg $0x60  }
0xb4: {  	[dreg:$0x2] =	wrdreg s16  }
0xb5: {  	[dreg:$0x3] =	wrdreg s24  }
0xb6: {  	[dreg:$0x4] =	wrdreg $0x9  }
0xb7: {  	_ =	task.clear_ibuf [dreg:s7], $0x5FFFF;
	_ =	strace $0x90000049  }
0xb8: {  	s29 =	simm.s32 $0x9;
	_ =	strace $0x8000004B  }
0xb9: {  	_ =	swait.ge [sflag:s29], $0x1  }
0xba: {  	[sflag:s29] =	ssyncadd.s32 $0xFFFFFFFF  }
0xbb: {  	_ =	strace $0x9000004B  }
0xbc: {  	_ =	sfence  }
0xbd: {  	s30 =	sld [smem:$0x0];
	_ =	sdelay $0x2  }
0xbe: {  	s31 =	sshll.u32 s1, $0xD;
	s1 =	sshrl.u32 s1, $0x2  }
0xbf: {  	s3 =	sand.u32 $0x4000, s31;
	s1 =	sadd.s32 s1, s30  }
0xc0: {  	s0 =	sor.u32 s3, s0;
	s1 =	sshll.u32 s1, $0x11  }
0xc1: {  	s0 =	sor.u32 s1, s0  }
0xc2: {  	s0 =	sadd.s32 $0x8F2B, s0  }
0xc3: {  	[sflag:s0] =	ssyncadd.remote.s32 $0x1  }
0xc4: {  	_ =	sfence.sel $0xFFFF  }
0xc5: {  	[dreg:$0x0] =	wrdreg $0xFFFFFFFF;
	(pc) =	sbr.abs _section_cstart, $3  }
0xc6: {  	[dreg:$0x1] =	wrdreg $0xFFFFFFFF  }
0xc7: {  	_ =	task.clear_ibuf [dreg:s7], $0x2FFFF;
	_ =	strace $0x9FFFFFFF  }
0xc8: {  	(tm) =	ssettm $0x7FFFFFFF  }
0xc9: {  	_ =	shalt  }
tec
execute0_lowered:
.L_overlay_start_1:
0x0: {  	(tag) =	ssettag $0x1  }
0x1: {  	s2 =	rddreg [dreg:$0x0]  }
0x2: {  	s4 =	rddreg [dreg:$0x1];
	s3 =	srdreg.scid  }
0x3: {  	s0 =	rddreg [dreg:$0x2];
	s1 =	stileid.u32  }
0x4: {  	s9 =	simm.s32 $0x80;
	s10 =	simm.s32 $0x880;
	s11 =	simm.s32 $0x1080  }
0x5: {  	s12 =	simm.s32 $0x1880;
	s13 =	simm.s32 $0x2080;
	s14 =	simm.s32 $0x2880  }
0x6: {  	s15 =	simm.s32 $0x3080;
	s16 =	simm.s32 $0x3880;
	s17 =	simm.s32 $0x4080  }
0x7: {  	s18 =	simm.s32 $0x4880;
	s19 =	simm.s32 $0x5080;
	s20 =	simm.s32 $0x5880  }
0x8: {  	s21 =	simm.s32 $0x6080;
	s22 =	simm.s32 $0x6880;
	s23 =	simm.s32 $0x7080  }
0x9: {  	s24 =	simm.s32 $0x7880;
	s25 =	simm.s32 $0x1;
	s5 =	sand.u32 $0x1, s3  }
0xa: {  	s3 =	simm.s32 $0x0;
	s6 =	sshll.u32 s1, $0x7;
	s7 =	sshll.u32 s5, $0x6  }
0xb: {  	[smem:$0x7FF] =	sst s3;
	s5 =	ssub.s32 $0x2, s5;
	s6 =	sor.u32 s7, s6  }
0xc: {  	_ =	strace $0x8000004A;
	s8 =	sshrl.u32 s5, $0x1;
	s7 =	sshrl.u32 s6, $0x3  }
0xd: {  	v2 =	vlaneseq.u32;
	s6 =	sshll.u32 s6, $0x6;
	s8 =	ssub.s32 s5, s8;
	s7 =	sadd.s32 s7, s4  }
0xe: {  	vm0 =	vmmov $0xffff;
	v1 =	vshrl.u32 v2, $0x3;
	s5 =	sadd.s32 $0x100, s2;
	s6 =	sadd.s32 s6, s4;
	s4 =	sadd.s32 $0x42400, s7  }
0xf: {  	v0 =	vand.u32 $0x7, v2;
	v2 =	vor.u32 $0x8, v2;
	v1 =	vmul.u32 $0x8, v1;
	s6 =	sadd.s32 $0x42600, s6;
	s7 =	smax.u32 s8, $0x1;
	s8 =	simm.s32 $0x2  }
.LBB2_1:
0x10: {  	[tilespmem:s3], [sflag:$0x2] =	stream.linear.gather [hbm4b:s4+s3], $0x40, $0x38;
	[tilespmem:$0x8080] =	vst v63  }
0x11: {  	_ =	swait.ge [sflag:s8], $0x40  }
0x12: {  	[sflag:s8] =	ssyncset.done $0x0  }
0x13: {  	[sflag:s8] =	ssyncadd.s32 $0xFFFFFFC0  }
0x14: {  	v3 =	vld [tilespmem:$0x0];
	_ =	sdelay $0x4  }
0x15: {  	v4 =	vshll.u32 v3, $0x2  }
0x16: {  	v3 =	vand.u32 $0x7, v3;
	v4 =	vand.u32 $0xFFFFFFE0, v4  }
0x17: {  	v3 =	vor.u32 v3, v4  }
0x18: {  	v4 =	vperm.xlane v3, v0;
	_ =	sdelay $0x1  }
0x19: {  	v4 =	vadd.s32 v1, v4;
	_ =	sdelay $0x1  }
0x1a: {  	v3 =	vperm.xlane v3, v2;
	_ =	sdelay $0x1  }
0x1b: {  	v3 =	vadd.s32 v1, v3  }
0x1c: {  	[tilespmem:s9], [sflag:$0x1] =	stream.indirect_vreg.gather [hbm4b:s2+s3], $0x80, v4, vm0, $0xb8;
	[tilespmem:$0x8080] =	vst v63  }
0x1d: {  	_ = 	snop  }
0x1e: {  	[tilespmem:s10], [sflag:$0x1] =	stream.indirect_vreg.gather [hbm4b:s5+s3], $0x80, v4, vm0, $0xb8;
	[tilespmem:$0x8080] =	vst v63  }
0x1f: {  	_ = 	snop  }
0x20: {  	[tilespmem:s11], [sflag:$0x1] =	stream.indirect_vreg.gather [hbm4b:s2+s3], $0x80, v3, vm0, $0xb8;
	[tilespmem:$0x8080] =	vst v63  }
0x21: {  	_ = 	snop  }
0x22: {  	[tilespmem:s12], [sflag:$0x1] =	stream.indirect_vreg.gather [hbm4b:s5+s3], $0x80, v3, vm0, $0xb8;
	[tilespmem:$0x8080] =	vst v63  }
0x23: {  	v3 =	vld [tilespmem:$0x10];
	_ =	sdelay $0x4  }
0x24: {  	v61 =	vshll.u32 v3, $0x2  }
0x25: {  	v3 =	vand.u32 $0x7, v3;
	v4 =	vand.u32 $0xFFFFFFE0, v61  }
0x26: {  	v3 =	vor.u32 v3, v4  }
0x27: {  	v4 =	vperm.xlane v3, v0;
	_ =	sdelay $0x1  }
0x28: {  	v4 =	vadd.s32 v1, v4;
	_ =	sdelay $0x1  }
0x29: {  	v3 =	vperm.xlane v3, v2;
	_ =	sdelay $0x1  }
0x2a: {  	v3 =	vadd.s32 v1, v3  }
0x2b: {  	[tilespmem:s13], [sflag:$0x1] =	stream.indirect_vreg.gather [hbm4b:s2+s3], $0x80, v4, vm0, $0xb8;
	[tilespmem:$0x8080] =	vst v63  }
0x2c: {  	_ = 	snop  }
0x2d: {  	[tilespmem:s14], [sflag:$0x1] =	stream.indirect_vreg.gather [hbm4b:s5+s3], $0x80, v4, vm0, $0xb8;
	[tilespmem:$0x8080] =	vst v63  }
0x2e: {  	_ = 	snop  }
0x2f: {  	[tilespmem:s15], [sflag:$0x1] =	stream.indirect_vreg.gather [hbm4b:s2+s3], $0x80, v3, vm0, $0xb8;
	[tilespmem:$0x8080] =	vst v63  }
0x30: {  	_ = 	snop  }
0x31: {  	[tilespmem:s16], [sflag:$0x1] =	stream.indirect_vreg.gather [hbm4b:s5+s3], $0x80, v3, vm0, $0xb8;
	[tilespmem:$0x8080] =	vst v63  }
0x32: {  	v3 =	vld [tilespmem:$0x20];
	_ =	sdelay $0x4  }
0x33: {  	v62 =	vshll.u32 v3, $0x2  }
0x34: {  	v3 =	vand.u32 $0x7, v3;
	v4 =	vand.u32 $0xFFFFFFE0, v62  }
0x35: {  	v3 =	vor.u32 v3, v4  }
0x36: {  	v4 =	vperm.xlane v3, v0;
	_ =	sdelay $0x1  }
0x37: {  	v4 =	vadd.s32 v1, v4;
	_ =	sdelay $0x1  }
0x38: {  	v3 =	vperm.xlane v3, v2;
	_ =	sdelay $0x1  }
0x39: {  	v3 =	vadd.s32 v1, v3  }
0x3a: {  	[tilespmem:s17], [sflag:$0x1] =	stream.indirect_vreg.gather [hbm4b:s2+s3], $0x80, v4, vm0, $0xb8;
	[tilespmem:$0x8080] =	vst v63  }
0x3b: {  	_ = 	snop  }
0x3c: {  	[tilespmem:s18], [sflag:$0x1] =	stream.indirect_vreg.gather [hbm4b:s5+s3], $0x80, v4, vm0, $0xb8;
	[tilespmem:$0x8080] =	vst v63  }
0x3d: {  	_ = 	snop  }
0x3e: {  	[tilespmem:s19], [sflag:$0x1] =	stream.indirect_vreg.gather [hbm4b:s2+s3], $0x80, v3, vm0, $0xb8;
	[tilespmem:$0x8080] =	vst v63  }
0x3f: {  	_ = 	snop  }
0x40: {  	[tilespmem:s20], [sflag:$0x1] =	stream.indirect_vreg.gather [hbm4b:s5+s3], $0x80, v3, vm0, $0xb8;
	[tilespmem:$0x8080] =	vst v63  }
0x41: {  	v3 =	vld [tilespmem:$0x30];
	_ =	sdelay $0x4  }
0x42: {  	v63 =	vshll.u32 v3, $0x2  }
0x43: {  	v3 =	vand.u32 $0x7, v3;
	v4 =	vand.u32 $0xFFFFFFE0, v63  }
0x44: {  	v3 =	vor.u32 v3, v4  }
0x45: {  	v4 =	vperm.xlane v3, v0;
	_ =	sdelay $0x1  }
0x46: {  	v4 =	vadd.s32 v1, v4;
	_ =	sdelay $0x1  }
0x47: {  	v3 =	vperm.xlane v3, v2;
	_ =	sdelay $0x1  }
0x48: {  	v3 =	vadd.s32 v1, v3  }
0x49: {  	[tilespmem:s21], [sflag:$0x1] =	stream.indirect_vreg.gather [hbm4b:s2+s3], $0x80, v4, vm0, $0xb8;
	[tilespmem:$0x8080] =	vst v63  }
0x4a: {  	_ = 	snop  }
0x4b: {  	[tilespmem:s22], [sflag:$0x1] =	stream.indirect_vreg.gather [hbm4b:s5+s3], $0x80, v4, vm0, $0xb8;
	[tilespmem:$0x8080] =	vst v63  }
0x4c: {  	_ = 	snop  }
0x4d: {  	[tilespmem:s23], [sflag:$0x1] =	stream.indirect_vreg.gather [hbm4b:s2+s3], $0x80, v3, vm0, $0xb8;
	[tilespmem:$0x8080] =	vst v63  }
0x4e: {  	_ = 	snop  }
0x4f: {  	[tilespmem:s24], [sflag:$0x1] =	stream.indirect_vreg.gather [hbm4b:s5+s3], $0x80, v3, vm0, $0xb8;
	[tilespmem:$0x8080] =	vst v63  }
0x50: {  	_ =	swait.ge [sflag:s25], $0x8000  }
0x51: {  	p0 =	sne.s32 s7, $0x1;
	[sflag:s25] =	ssyncset.done $0x0  }
.Ltmp0:
0x52: {  	[sflag:s25] =	ssyncadd.s32 $0xFFFF8000;
	(pc) =	sbr.rel @p0 .LBB2_1-.Ltmp0, $4  }
0x53: {  	[hbm4b:s6+s3] =	stream.linear.scatter [tilespmem:s9], [sflag:$0x2], $0x8000, $0x38;
	[tilespmem:$0x8080] =	vst v63  }
0x54: {  	_ =	swait.ge [sflag:s8], $0x8000  }
0x55: {  	[sflag:s8] =	ssyncset.done $0x0  }
0x56: {  	s7 =	sadd.s32 $0xFFFFFFFF, s7;
	[sflag:s8] =	ssyncadd.s32 $0xFFFF8000  }
0x57: {  	_ =	sfence.sel $0x180000  }
0x58: {  	[bflag:$0x0] =	sbarrier.arrive $0xFFFF  }
0x59: {  	p0 =	sne.s32 s1, $0x0;
	_ =	strace $0x9000004A  }
0x5a: {  	s0 =	sadd.s32 @!p0 $0x100000, s0;
	[bflag:$0x2] =	sbarrier.arrive $0xFFFF  }
0x5b: {  	[sflag:s0] =	ssyncadd.tile.s32 @!p0 $0x1;
	_ =	shalt  }
.Lfunc_end2:
_tile_overlayer_lowered:
.L_overlay_start_2:
0x5c: {  	(tag) =	ssettag $0x2  }
0x5d: {  	s0 =	rddreg [dreg:$0x0];
	s2 =	stileid.u32  }
0x5e: {  	s1 =	rddreg [dreg:$0x1];
	p0 =	sne.s32 s2, $0x0  }
0x5f: {  	s3 =	rddreg [dreg:$0x2];
	[bflag:$0x3] =	sbarrier.arrive $0xFFFF;
	s2 =	simm.s32 @!p0 $0x1C02  }
0x60: {  	[timem:s3], [sflag:s2] =	dma.local @!p0 [hbm:s0], s1  }
0x61: {  	s0 =	simm.s32 @!p0 $0x2  }
0x62: {  	_ =	swait.ge @!p0 [sflag:s0], s1  }
0x63: {  	s1 =	ssub.s32 @!p0 $0x0, s1;
	[sflag:s0] =	ssyncset.done @!p0 $0x0  }
0x64: {  	[sflag:s0] =	ssyncadd.s32 @!p0 s1  }
0x65: {  	[bflag:$0x3] =	sbarrier.arrive $0xFFFF  }
0x66: {  	_ =	shalt  }

// kernel: kernel.7.cloned.1.call-start
scs
__scs_entry_jumppad:
0x0: {  	(pc) =	sbr.rel $0x88, $3  }
0x1: {  	(tag) =	ssettag $0x0;
	lr =	simm.s32 $0x1  }
0x2: {  	[smem:$0x3F94] =	sst lr;
	_ =	strace $0xD0000000  }
0x3: {  	_ = 	snop  }
0x4: {  	_ = 	snop  }
0x5: {  	_ = 	snop  }
0x6: {  	_ = 	snop  }
0x7: {  	_ = 	snop  }
__scs_overlays_trampoline_lowered:
0x8: {  	[smem:$0x3FA3] =	sst s0  }
0x9: {  	[smem:$0x3FA4] =	sst s1  }
0xa: {  	[smem:$0x3FA5] =	sst s2  }
0xb: {  	[smem:$0x3FA6] =	sst s3  }
0xc: {  	[smem:$0x3FA7] =	sst s4  }
0xd: {  	[smem:$0x3FA8] =	sst s5  }
0xe: {  	[smem:$0x3FA9] =	sst s6  }
0xf: {  	[smem:$0x3FAA] =	sst s7  }
0x10: {  	[smem:$0x3FAB] =	sst s8  }
0x11: {  	[smem:$0x3FAC] =	sst s9;
	s0 =	simm.s32 @!p0 $0x0  }
0x12: {  	s1 =	sld [smem:$0x3F92];
	s0 =	simm.s32 @p0 $0x1  }
0x13: {  	[smem:$0x3FAD] =	sst s0;
	s0 =	simm.s32 @!p1 $0x0  }
0x14: {  	s2 =	sld [smem:$0x3F91];
	s0 =	simm.s32 @p1 $0x1  }
0x15: {  	[smem:$0x3FAE] =	sst s0;
	s0 =	simm.s32 @!p2 $0x0  }
0x16: {  	s3 =	sld [smem:$0x3FDB];
	s0 =	simm.s32 @p2 $0x1  }
0x17: {  	s4 =	simm.s32 $0x1BF5;
	[smem:$0x3FB0] =	sst s0  }
0x18: {  	s0 =	sld [smem:$0x3F93];
	_ =	swait.ge [sflag:s4], $0x0  }
0x19: {  	s7 =	sld [smem:$0x3F94]  }
0x1a: {  	s8 =	sadd.s32 $0xFFFFE003, lr  }
0x1b: {  	s9 =	sadd.s32 $0xFFFFFEF7, lr;
	s5 =	simm.s32 $0xFFFFFFFF;
	p2 =	slt.u32 s8, $0xFFFFF086  }
0x1c: {  	p1 =	slt.u32 s9, $0xF7A;
	s5 =	simm.s32 @!p2 $0x0  }
0x1d: {  	s5 =	simm.s32 @p1 $0x1;
	p0 =	seq.s32 s7, s2  }
0x1e: {  	s7 =	smul.u32 @!p0 $0xF7A, s2;
	p2 =	seq.s32 @!p0 s5, $0x0  }
0x1f: {  	s9 =	smul.u32 $0xF7A, s1;
	s8 =	simm.s32 @!p0 $0x1BF5;
	p2 =	por !p2, p0  }
0x20: {  	[sflag:s8] =	ssyncset.s32 @!p0 $0xFFFFF086;
	s6 =	sadd.s32 @!p0 s3, s7;
	s7 =	simm.s32 @!p0 $0x108  }
0x21: {  	s3 =	sadd.s32 s3, s9;
	s6 =	sadd.s32 @!p0 $0x88, s6;
	s7 =	simm.s32 @p2 $0x1082  }
0x22: {  	[simem:s7], [sflag:s8] =	dma.local @!p0 [hbm:s6], $0xF7A  }
0x23: {  	s9 =	sor.u32 $0xD0000000, s2;
	s6 =	simm.s32 $0x108;
	_ =	swait.ge @!p0 [sflag:s8], $0x0  }
0x24: {  	s3 =	sadd.s32 $0x88, s3;
	s6 =	simm.s32 @!p1 $0x1082;
	[sflag:s4] =	ssyncset.s32 $0xFFFFF086  }
0x25: {  	[simem:s6], [sflag:s4] =	dma.local [hbm:s3], $0xF7A  }
0x26: {  	[smem:$0x3F94] =	sst s1;
	(tag) =	ssettag s2;
	_ =	strace s9  }
0x27: {  	s1 =	sld [smem:$0x3FA4]  }
0x28: {  	s2 =	sld [smem:$0x3FA5]  }
0x29: {  	s4 =	sld [smem:$0x3FA7]  }
0x2a: {  	p0 =	seq.s32 s5, $0x0;
	s5 =	sld [smem:$0x3FA8]  }
0x2b: {  	s6 =	sld [smem:$0x3FA9]  }
0x2c: {  	s7 =	sld [smem:$0x3FAA]  }
0x2d: {  	s3 =	simm.s32 $0x108;
	s8 =	sld [smem:$0x3FAB]  }
0x2e: {  	s3 =	simm.s32 @!p0 $0x1082;
	s9 =	sld [smem:$0x3FAC]  }
0x2f: {  	lr =	sadd.s32 s0, s3;
	s0 =	sld [smem:$0x3FA3]  }
0x30: {  	s3 =	sld [smem:$0x3FA6]  }
0x31: {  	[smem:$0x3FAF] =	sst s10  }
0x32: {  	s10 =	sld [smem:$0x3FAD];
	_ =	sdelay $0x3  }
0x33: {  	p0 =	seq.s32 s10, $0x1;
	s10 =	sld [smem:$0x3FAF];
	_ =	sdelay $0x3  }
0x34: {  	[smem:$0x3FAF] =	sst s10  }
0x35: {  	s10 =	sld [smem:$0x3FAE];
	_ =	sdelay $0x3  }
0x36: {  	p1 =	seq.s32 s10, $0x1;
	s10 =	sld [smem:$0x3FAF];
	_ =	sdelay $0x3  }
0x37: {  	[smem:$0x3FAF] =	sst s10  }
0x38: {  	s10 =	sld [smem:$0x3FB0]  }
0x39: {  	_ = 	snop;
	(pc) =	sbr.ind lr, $3  }
0x3a: {  	_ = 	snop  }
0x3b: {  	_ = 	snop  }
0x3c: {  	p2 =	seq.s32 s10, $0x1;
	s10 =	sld [smem:$0x3FAF]  }
0x3d: {  	_ =	shalt  }
0x3e: {  	_ =	shalt  }
0x3f: {  	_ =	shalt  }
0x40: {  	_ =	shalt  }
0x41: {  	_ =	shalt  }
0x42: {  	_ =	shalt  }
0x43: {  	_ =	shalt  }
0x44: {  	_ =	shalt  }
0x45: {  	_ =	shalt  }
0x46: {  	_ =	shalt  }
0x47: {  	_ =	shalt  }
0x48: {  	_ =	shalt  }
0x49: {  	_ =	shalt  }
0x4a: {  	_ =	shalt  }
0x4b: {  	_ =	shalt  }
0x4c: {  	_ =	shalt  }
0x4d: {  	_ =	shalt  }
0x4e: {  	_ =	shalt  }
0x4f: {  	_ =	shalt  }
0x50: {  	_ =	shalt  }
0x51: {  	_ =	shalt  }
0x52: {  	_ =	shalt  }
0x53: {  	_ =	shalt  }
0x54: {  	_ =	shalt  }
0x55: {  	_ =	shalt  }
0x56: {  	_ =	shalt  }
0x57: {  	_ =	shalt  }
0x58: {  	_ =	shalt  }
0x59: {  	_ =	shalt  }
0x5a: {  	_ =	shalt  }
0x5b: {  	_ =	shalt  }
0x5c: {  	_ =	shalt  }
0x5d: {  	_ =	shalt  }
0x5e: {  	_ =	shalt  }
0x5f: {  	_ =	shalt  }
0x60: {  	_ =	shalt  }
0x61: {  	_ =	shalt  }
0x62: {  	_ =	shalt  }
0x63: {  	_ =	shalt  }
0x64: {  	_ =	shalt  }
0x65: {  	_ =	shalt  }
0x66: {  	_ =	shalt  }
0x67: {  	_ =	shalt  }
0x68: {  	_ =	shalt  }
0x69: {  	_ =	shalt  }
0x6a: {  	_ =	shalt  }
0x6b: {  	_ =	shalt  }
0x6c: {  	_ =	shalt  }
0x6d: {  	_ =	shalt  }
0x6e: {  	_ =	shalt  }
0x6f: {  	_ =	shalt  }
0x70: {  	_ =	shalt  }
0x71: {  	_ =	shalt  }
0x72: {  	_ =	shalt  }
0x73: {  	_ =	shalt  }
0x74: {  	_ =	shalt  }
0x75: {  	_ =	shalt  }
0x76: {  	_ =	shalt  }
0x77: {  	_ =	shalt  }
0x78: {  	_ =	shalt  }
0x79: {  	_ =	shalt  }
0x7a: {  	_ =	shalt  }
0x7b: {  	_ =	shalt  }
0x7c: {  	_ =	shalt  }
0x7d: {  	_ =	shalt  }
0x7e: {  	_ =	shalt  }
0x7f: {  	_ =	shalt  }
0x80: {  	_ =	shalt  }
0x81: {  	_ =	shalt  }
0x82: {  	_ =	shalt  }
0x83: {  	_ =	shalt  }
0x84: {  	_ =	shalt  }
0x85: {  	_ =	shalt  }
0x86: {  	_ =	shalt  }
0x87: {  	_ =	shalt  }
.Lfunc_end0:
.L_simem_size_0:
called_computation_lowered:
.L_overlay_start_0:
0x88: {  	s2 =	sld [smem:$0x3FD9]  }
0x89: {  	s3 =	sld [smem:$0x3FFE];
	_ =	sdelay $0x1  }
0x8a: {  	s1 =	srdreg.scid  }
0x8b: {  	s0 =	sand.u32 $0x1, s1  }
0x8c: {  	s14 =	sshll.u32 s0, $0xA;
	s2 =	sadd.s32 s3, s2  }
0x8d: {  	s2 =	sadd.s32 s2, s14  }
0x8e: {  	[smem:$0x3FBB] =	sst s2  }
0x8f: {  	_ = 	snop  }
0x90: {  	s2 =	sld [smem:$0x3FD0];
	_ =	sdelay $0x2  }
0x91: {  	s15 =	simm.s32 $0xA;
	s4 =	simm.s32 $0x10  }
0x92: {  	[smem:s4], [sflag:s15] =	dma.local [hbm:s2], $0x1  }
0x93: {  	_ =	swait.eq [sflag:s15], $0x1  }
0x94: {  	[sflag:s15] =	ssyncset.done $0x0  }
0x95: {  	[sflag:s15] =	ssyncadd.s32 $0xFFFFFFFF  }
0x96: {  	s16 =	sld [smem:$0x10];
	(tm) =	ssettm $0x1  }
0x97: {  	s17 =	sld [smem:$0x3FFB];
	_ =	sdelay $0x3  }
0x98: {  	_ =	strace s17  }
0x99: {  	s3 =	sld [smem:$0x3FFC];
	_ =	sdelay $0x3  }
0x9a: {  	_ =	strace s3  }
0x9b: {  	s3 =	sld [smem:$0x3FFD];
	_ =	sdelay $0x3  }
0x9c: {  	_ =	strace s3  }
0x9d: {  	_ =	strace $0x8FFFFFFF  }
0x9e: {  	s18 =	sld [smem:$0x3FDB];
	_ =	sdelay $0x1  }
0x9f: {  	s19 =	simm.s32 $_scs_section_size  }
0xa0: {  	s5 =	simm.s32 $_size__tile_overlayer_lowered;
	s6 =	simm.s32 $_tile_overlayer_lowered  }
0xa1: {  	s22 =	simm.s32 $0x1BFF;
	s21 =	sshll.u32 s6, $0x1;
	s3 =	sadd.s32 s19, s18  }
0xa2: {  	s7 =	simm.s32 $0x0;
	s20 =	sshll.u32 s5, $0x1;
	s5 =	sadd.s32 s21, s3  }
0xa3: {  	[timem:s7], [sflag:s22] =	dma.local [hbm:s5], s20  }
0xa4: {  	_ =	swait.ge [sflag:s22], s20  }
0xa5: {  	s4 =	ssub.s32 $0x0, s20;
	[sflag:s22] =	ssyncset.done $0x0  }
0xa6: {  	[sflag:s22] =	ssyncadd.s32 s4;
	_ =	sdelay $0x1  }
0xa7: {  	s23 =	simm.s32 $0x1B8B  }
0xa8: {  	_ =	swait.ge [sflag:s23], $0x1  }
0xa9: {  	[sflag:s23] =	ssyncset.done $0x0  }
0xaa: {  	s25 =	simm.s32 $0x1B8E;
	s24 =	sld [smem:$0x3FFE];
	[sflag:s23] =	ssyncadd.s32 $0xFFFFFFFF  }
0xab: {  	s26 =	simm.s32 $execute0_lowered;
	[smem:$0x3FD2] =	sst s25  }
0xac: {  	s5 =	sshll.u32 s26, $0x1;
	_ =	strace $0x80000046;
	[dreg:$0x1] =	wrdreg $0xFFFFFFFF  }
0xad: {  	s28 =	simm.s32 $_size_execute0_lowered;
	s3 =	sadd.s32 s3, s5;
	[dreg:$0x0] =	wrdreg $0x0  }
0xae: {  	s5 =	sshll.u32 s28, $0x1;
	[dreg:$0x2] =	wrdreg s3  }
0xaf: {  	[dreg:$0x3] =	wrdreg s5  }
0xb0: {  	[dreg:$0x4] =	wrdreg $0xC0  }
0xb1: {  	_ =	task [dreg:s7], $0x5FFFF  }
0xb2: {  	[dreg:$0x1] =	wrdreg $0xFFFFFFFF  }
0xb3: {  	[dreg:$0x0] =	wrdreg $0x60  }
0xb4: {  	[dreg:$0x2] =	wrdreg s16  }
0xb5: {  	[dreg:$0x3] =	wrdreg s24  }
0xb6: {  	[dreg:$0x4] =	wrdreg $0x9  }
0xb7: {  	_ =	task.clear_ibuf [dreg:s7], $0x5FFFF;
	_ =	strace $0x90000046  }
0xb8: {  	s29 =	simm.s32 $0x9;
	_ =	strace $0x80000048  }
0xb9: {  	_ =	swait.ge [sflag:s29], $0x1  }
0xba: {  	[sflag:s29] =	ssyncadd.s32 $0xFFFFFFFF  }
0xbb: {  	_ =	strace $0x90000048  }
0xbc: {  	_ =	sfence  }
0xbd: {  	s30 =	sld [smem:$0x0];
	_ =	sdelay $0x2  }
0xbe: {  	s31 =	sshll.u32 s1, $0xD;
	s1 =	sshrl.u32 s1, $0x2  }
0xbf: {  	s3 =	sand.u32 $0x4000, s31;
	s1 =	sadd.s32 s1, s30  }
0xc0: {  	s0 =	sor.u32 s3, s0;
	s1 =	sshll.u32 s1, $0x11  }
0xc1: {  	s0 =	sor.u32 s1, s0  }
0xc2: {  	s0 =	sadd.s32 $0x8F2B, s0  }
0xc3: {  	[sflag:s0] =	ssyncadd.remote.s32 $0x1  }
0xc4: {  	_ =	sfence.sel $0xFFFF  }
0xc5: {  	[dreg:$0x0] =	wrdreg $0xFFFFFFFF;
	(pc) =	sbr.abs _section_cstart, $3  }
0xc6: {  	[dreg:$0x1] =	wrdreg $0xFFFFFFFF  }
0xc7: {  	_ =	task.clear_ibuf [dreg:s7], $0x2FFFF;
	_ =	strace $0x9FFFFFFF  }
0xc8: {  	(tm) =	ssettm $0x7FFFFFFF  }
0xc9: {  	_ =	shalt  }
tec
execute0_lowered:
.L_overlay_start_1:
0x0: {  	(tag) =	ssettag $0x1  }
0x1: {  	s1 =	srdreg.scid  }
0x2: {  	s6 =	rddreg [dreg:$0x0];
	s0 =	stileid.u32  }
0x3: {  	s8 =	rddreg [dreg:$0x1];
	s2 =	simm.s32 $0x0;
	s13 =	simm.s32 $0x880  }
0x4: {  	s14 =	simm.s32 $0x1080;
	s15 =	simm.s32 $0x1880;
	s16 =	simm.s32 $0x2080  }
0x5: {  	s17 =	simm.s32 $0x2880;
	s18 =	simm.s32 $0x3080;
	s19 =	simm.s32 $0x3880  }
0x6: {  	s20 =	simm.s32 $0x4080;
	s21 =	simm.s32 $0x4880;
	s22 =	simm.s32 $0x5080  }
0x7: {  	s23 =	simm.s32 $0x5880;
	s24 =	simm.s32 $0x6080;
	s25 =	simm.s32 $0x6880  }
0x8: {  	s28 =	simm.s32 $0x7880;
	s29 =	simm.s32 $0x40;
	s30 =	simm.s32 $0x1  }
0x9: {  	s31 =	simm.s32 $0x2;
	s4 =	sand.u32 $0x1, s1;
	s1 =	rddreg [dreg:$0x2]  }
0xa: {  	s3 =	sshll.u32 s0, $0x7;
	[smem:$0x7FF] =	sst s2;
	s5 =	sshll.u32 s4, $0x6  }
0xb: {  	_ =	strace $0x80000047;
	s10 =	ssub.s32 $0x2, s4;
	s5 =	sor.u32 s5, s3  }
0xc: {  	s4 =	sadd.s32 $0x6A600, s8;
	s11 =	sshrl.u32 s10, $0x1;
	s3 =	sshll.u32 s5, $0x4  }
0xd: {  	s26 =	sshrl.u32 s5, $0x3;
	s12 =	sshll.u32 s5, $0x6;
	s10 =	ssub.s32 s10, s11  }
0xe: {  	s11 =	simm.s32 $0x80;
	s7 =	sadd.s32 s3, s8;
	s9 =	sadd.s32 s26, s8  }
0xf: {  	v2 =	vlaneseq.u32;
	s3 =	sadd.s32 $0x4A600, s8;
	s6 =	sadd.s32 s6, s12;
	s8 =	sadd.s32 $0x4A700, s8  }
0x10: {  	vm0 =	vmmov $0xffff;
	v1 =	vshrl.u32 v2, $0x3;
	s12 =	simm.s32 $0x8080;
	s26 =	simm.s32 $0x7080;
	s5 =	sadd.s32 $0x42400, s9  }
0x11: {  	v0 =	vand.u32 $0x7, v2;
	v2 =	vor.u32 $0x8, v2;
	v1 =	vmul.u32 $0x8, v1;
	s7 =	sadd.s32 $0x42600, s7;
	s9 =	smax.u32 s10, $0x1;
	s10 =	simm.s32 $0x3  }
.LBB2_1:
0x12: {  	[tilespmem:s2], [sflag:$0x3] =	stream.linear.gather [hbm4b:s5+s2], $0x40, $0x38;
	[tilespmem:$0xA080] =	vst v63  }
0x13: {  	_ =	swait.ge [sflag:s10], $0x40  }
0x14: {  	[sflag:s10] =	ssyncset.done $0x0  }
0x15: {  	[sflag:s10] =	ssyncadd.s32 $0xFFFFFFC0  }
0x16: {  	[tilespmem:s11], [sflag:$0x3] =	stream.linear.gather [hbm4b:s6+s2], $0x8000, $0x38;
	[tilespmem:$0xA080] =	vst v63  }
0x17: {  	_ =	swait.ge [sflag:s10], $0x8000  }
0x18: {  	[sflag:s10] =	ssyncset.done $0x0  }
0x19: {  	[sflag:s10] =	ssyncadd.s32 $0xFFFF8000  }
0x1a: {  	[tilespmem:s12], [sflag:$0x3] =	stream.linear.gather [hbm4b:s7+s2], $0x2000, $0x38;
	[tilespmem:$0xA080] =	vst v63  }
0x1b: {  	_ =	swait.ge [sflag:s10], $0x2000  }
0x1c: {  	[sflag:s10] =	ssyncset.done $0x0  }
0x1d: {  	[sflag:s10] =	ssyncadd.s32 $0xFFFFE000  }
0x1e: {  	v3 =	vld [tilespmem:$0x0];
	_ =	sdelay $0x4  }
0x1f: {  	v4 =	vshll.u32 v3, $0x2  }
0x20: {  	v3 =	vand.u32 $0x7, v3;
	v4 =	vand.u32 $0xFFFFFFE0, v4  }
0x21: {  	v3 =	vor.u32 v3, v4  }
0x22: {  	v4 =	vperm.xlane v3, v0;
	_ =	sdelay $0x1  }
0x23: {  	v4 =	vadd.s32 v1, v4;
	_ =	sdelay $0x1  }
0x24: {  	v3 =	vperm.xlane v3, v2;
	_ =	sdelay $0x1  }
0x25: {  	v3 =	vadd.s32 v1, v3  }
0x26: {  	[hbm4b:s3+s2] =	stream.indirect_vreg.scatter [tilespmem:s11], [sflag:$0x1], $0x80, v4, vm0, $0xb8;
	[tilespmem:$0xA080] =	vst v63  }
0x27: {  	_ = 	snop  }
0x28: {  	[hbm4b:s8+s2] =	stream.indirect_vreg.scatter [tilespmem:s13], [sflag:$0x1], $0x80, v4, vm0, $0xb8;
	[tilespmem:$0xA080] =	vst v63  }
0x29: {  	_ = 	snop  }
0x2a: {  	[hbm4b:s3+s2] =	stream.indirect_vreg.scatter [tilespmem:s14], [sflag:$0x1], $0x80, v3, vm0, $0xb8;
	[tilespmem:$0xA080] =	vst v63  }
0x2b: {  	_ = 	snop  }
0x2c: {  	[hbm4b:s8+s2] =	stream.indirect_vreg.scatter [tilespmem:s15], [sflag:$0x1], $0x80, v3, vm0, $0xb8;
	[tilespmem:$0xA080] =	vst v63  }
0x2d: {  	v3 =	vld [tilespmem:$0x10];
	_ =	sdelay $0x4  }
0x2e: {  	v61 =	vshll.u32 v3, $0x2  }
0x2f: {  	v3 =	vand.u32 $0x7, v3;
	v4 =	vand.u32 $0xFFFFFFE0, v61  }
0x30: {  	v3 =	vor.u32 v3, v4  }
0x31: {  	v4 =	vperm.xlane v3, v0;
	_ =	sdelay $0x1  }
0x32: {  	v4 =	vadd.s32 v1, v4;
	_ =	sdelay $0x1  }
0x33: {  	v3 =	vperm.xlane v3, v2;
	_ =	sdelay $0x1  }
0x34: {  	v3 =	vadd.s32 v1, v3  }
0x35: {  	[hbm4b:s3+s2] =	stream.indirect_vreg.scatter [tilespmem:s16], [sflag:$0x1], $0x80, v4, vm0, $0xb8;
	[tilespmem:$0xA080] =	vst v63  }
0x36: {  	_ = 	snop  }
0x37: {  	[hbm4b:s8+s2] =	stream.indirect_vreg.scatter [tilespmem:s17], [sflag:$0x1], $0x80, v4, vm0, $0xb8;
	[tilespmem:$0xA080] =	vst v63  }
0x38: {  	_ = 	snop  }
0x39: {  	[hbm4b:s3+s2] =	stream.indirect_vreg.scatter [tilespmem:s18], [sflag:$0x1], $0x80, v3, vm0, $0xb8;
	[tilespmem:$0xA080] =	vst v63  }
0x3a: {  	_ = 	snop  }
0x3b: {  	[hbm4b:s8+s2] =	stream.indirect_vreg.scatter [tilespmem:s19], [sflag:$0x1], $0x80, v3, vm0, $0xb8;
	[tilespmem:$0xA080] =	vst v63  }
0x3c: {  	v3 =	vld [tilespmem:$0x20];
	_ =	sdelay $0x4  }
0x3d: {  	v62 =	vshll.u32 v3, $0x2  }
0x3e: {  	v3 =	vand.u32 $0x7, v3;
	v4 =	vand.u32 $0xFFFFFFE0, v62  }
0x3f: {  	v3 =	vor.u32 v3, v4  }
0x40: {  	v4 =	vperm.xlane v3, v0;
	_ =	sdelay $0x1  }
0x41: {  	v4 =	vadd.s32 v1, v4;
	_ =	sdelay $0x1  }
0x42: {  	v3 =	vperm.xlane v3, v2;
	_ =	sdelay $0x1  }
0x43: {  	v3 =	vadd.s32 v1, v3  }
0x44: {  	[hbm4b:s3+s2] =	stream.indirect_vreg.scatter [tilespmem:s20], [sflag:$0x1], $0x80, v4, vm0, $0xb8;
	[tilespmem:$0xA080] =	vst v63  }
0x45: {  	_ = 	snop  }
0x46: {  	[hbm4b:s8+s2] =	stream.indirect_vreg.scatter [tilespmem:s21], [sflag:$0x1], $0x80, v4, vm0, $0xb8;
	[tilespmem:$0xA080] =	vst v63  }
0x47: {  	_ = 	snop  }
0x48: {  	[hbm4b:s3+s2] =	stream.indirect_vreg.scatter [tilespmem:s22], [sflag:$0x1], $0x80, v3, vm0, $0xb8;
	[tilespmem:$0xA080] =	vst v63  }
0x49: {  	_ = 	snop  }
0x4a: {  	[hbm4b:s8+s2] =	stream.indirect_vreg.scatter [tilespmem:s23], [sflag:$0x1], $0x80, v3, vm0, $0xb8;
	[tilespmem:$0xA080] =	vst v63  }
0x4b: {  	v3 =	vld [tilespmem:$0x30];
	_ =	sdelay $0x4  }
0x4c: {  	v63 =	vshll.u32 v3, $0x2  }
0x4d: {  	v3 =	vand.u32 $0x7, v3;
	v4 =	vand.u32 $0xFFFFFFE0, v63  }
0x4e: {  	v3 =	vor.u32 v3, v4  }
0x4f: {  	v4 =	vperm.xlane v3, v0;
	_ =	sdelay $0x1  }
0x50: {  	v4 =	vadd.s32 v1, v4;
	_ =	sdelay $0x1  }
0x51: {  	v3 =	vperm.xlane v3, v2;
	_ =	sdelay $0x1  }
0x52: {  	v3 =	vadd.s32 v1, v3  }
0x53: {  	[hbm4b:s3+s2] =	stream.indirect_vreg.scatter [tilespmem:s24], [sflag:$0x1], $0x80, v4, vm0, $0xb8;
	[tilespmem:$0xA080] =	vst v63  }
0x54: {  	_ = 	snop  }
0x55: {  	[hbm4b:s8+s2] =	stream.indirect_vreg.scatter [tilespmem:s25], [sflag:$0x1], $0x80, v4, vm0, $0xb8;
	[tilespmem:$0xA080] =	vst v63  }
0x56: {  	_ = 	snop  }
0x57: {  	[hbm4b:s3+s2] =	stream.indirect_vreg.scatter [tilespmem:s26], [sflag:$0x1], $0x80, v3, vm0, $0xb8;
	[tilespmem:$0xA080] =	vst v63  }
0x58: {  	_ = 	snop  }
0x59: {  	[hbm4b:s8+s2] =	stream.indirect_vreg.scatter [tilespmem:s28], [sflag:$0x1], $0x80, v3, vm0, $0xb8;
	[tilespmem:$0xA080] =	vst v63  }
0x5a: {  	_ = 	snop  }
0x5b: {  	[hbm4b:s4+s29] =	stream.indirect.scatter [tilespmem:s12], [sflag:$0x2], $0x80, s2, s29, $0xb8;
	[tilespmem:$0xA080] =	vst v63  }
0x5c: {  	p0 =	sne.s32 s9, $0x1;
	_ =	swait.ge [sflag:s30], $0x8000  }
.Ltmp0:
0x5d: {  	[sflag:s30] =	ssyncset.done $0x0;
	(pc) =	sbr.rel @p0 .LBB2_1-.Ltmp0, $4  }
0x5e: {  	[sflag:s30] =	ssyncadd.s32 $0xFFFF8000  }
0x5f: {  	_ =	swait.ge [sflag:s31], $0x2000  }
0x60: {  	[sflag:s31] =	ssyncset.done $0x0  }
0x61: {  	s9 =	sadd.s32 $0xFFFFFFFF, s9;
	[sflag:s31] =	ssyncadd.s32 $0xFFFFE000  }
0x62: {  	_ =	sfence.sel $0x180000  }
0x63: {  	[bflag:$0x0] =	sbarrier.arrive $0xFFFF  }
0x64: {  	p0 =	sne.s32 s0, $0x0;
	_ =	strace $0x90000047  }
0x65: {  	s0 =	sadd.s32 @!p0 $0x100000, s1;
	[bflag:$0x2] =	sbarrier.arrive $0xFFFF  }
0x66: {  	[sflag:s0] =	ssyncadd.tile.s32 @!p0 $0x1;
	_ =	shalt  }
.Lfunc_end2:
_tile_overlayer_lowered:
.L_overlay_start_2:
0x67: {  	(tag) =	ssettag $0x2  }
0x68: {  	s0 =	rddreg [dreg:$0x0];
	s2 =	stileid.u32  }
0x69: {  	s1 =	rddreg [dreg:$0x1];
	p0 =	sne.s32 s2, $0x0  }
0x6a: {  	s3 =	rddreg [dreg:$0x2];
	[bflag:$0x3] =	sbarrier.arrive $0xFFFF;
	s2 =	simm.s32 @!p0 $0x1C03  }
0x6b: {  	[timem:s3], [sflag:s2] =	dma.local @!p0 [hbm:s0], s1  }
0x6c: {  	s0 =	simm.s32 @!p0 $0x3  }
0x6d: {  	_ =	swait.ge @!p0 [sflag:s0], s1  }
0x6e: {  	s1 =	ssub.s32 @!p0 $0x0, s1;
	[sflag:s0] =	ssyncset.done @!p0 $0x0  }
0x6f: {  	[sflag:s0] =	ssyncadd.s32 @!p0 s1  }
0x70: {  	[bflag:$0x3] =	sbarrier.arrive $0xFFFF  }
0x71: {  	_ =	shalt  }

</sc_bundles>
